<compile_context>
chip_gen: v7x
topology: tpu7x:2x2x1
jax: 0.10.2.dev20260603
libtpu: 0.0.44.dev20260713+nightly
codegen_flags: <defaults>
</compile_context>

<pallas_src>
import functools

import numpy as np
import jax
import jax.numpy as jnp
from jax import lax
from jax.experimental import pallas as pl
from jax.experimental.pallas import tpu as pltpu
from jax.experimental.pallas import tpu_sc as plsc

_N = 32768
_M_WIN = 4
_NOS = 65536
_B = 8
_M_PTS = 32768
_P_TOTAL = _B * _M_PTS
_P_HALF = _P_TOTAL // 2
_ROWW = 32

_T0_ROWS = 24584
_T1_BASE = 20472
_T1_ROWS = 20488

_BCONST = (2.0 - 1.0 / 2.0) * np.pi
_THR = np.float32(4.0 / 65536.0)

_NC = 2
_NS = 16
_NW = _NC * _NS
_PW = _P_HALF // _NW
_CH = 128
_NCHUNK = _PW // _CH


def _sc_gather(table, idx):
    mesh = plsc.VectorSubcoreMesh(core_axis_name="c", subcore_axis_name="s")

    @functools.partial(
        pl.kernel,
        out_type=jax.ShapeDtypeStruct((_P_HALF, 128), jnp.float32),
        mesh=mesh,
        compiler_params=pltpu.CompilerParams(use_tc_tiling_on_sc=False),
        scratch_types=[
            pltpu.VMEM((_PW,), jnp.int32),
            pltpu.VMEM((_CH, _ROWW), jnp.float32),
            pltpu.VMEM((_CH, _ROWW), jnp.float32),
            pltpu.SemaphoreType.DMA,
            pltpu.SemaphoreType.DMA,
            pltpu.SemaphoreType.DMA,
            pltpu.SemaphoreType.DMA,
        ],
    )
    def k(table_hbm, idx_hbm, out_hbm, idx_v, buf0, buf1, sg0, sg1, so0, so1):
        wid = lax.axis_index("s") * _NC + lax.axis_index("c")
        base = pl.multiple_of(wid * _PW, _PW)
        pltpu.sync_copy(idx_hbm.at[pl.ds(base, _PW)], idx_v)

        def g_copy(ci, buf, sem):
            off = pl.multiple_of(ci * _CH, _CH)
            return pltpu.make_async_copy(
                table_hbm.at[idx_v.at[pl.ds(off, _CH)]], buf, sem)

        def o_copy(ci, buf, sem):
            off = pl.multiple_of(base + ci * _CH, _CH)
            return pltpu.make_async_copy(
                buf, out_hbm.at[pl.ds(off, _CH), pl.ds(0, _ROWW)], sem)

        g_copy(0, buf0, sg0).start()
        g_copy(1, buf1, sg1).start()

        @pl.loop(0, _NCHUNK, step=2)
        def _(i):
            g_copy(i, buf0, sg0).wait()
            o_copy(i, buf0, so0).start()
            g_copy(i + 1, buf1, sg1).wait()
            o_copy(i + 1, buf1, so1).start()

            @pl.when(i + 2 < _NCHUNK)
            def _():
                o_copy(i, buf0, so0).wait()
                g_copy(i + 2, buf0, sg0).start()

            @pl.when(i + 3 < _NCHUNK)
            def _():
                o_copy(i + 1, buf1, so1).wait()
                g_copy(i + 3, buf1, sg1).start()

        o_copy(_NCHUNK - 2, buf0, so0).wait()
        o_copy(_NCHUNK - 1, buf1, so1).wait()

    return k(table, idx)


def _window(k):
    out = jnp.full_like(k, np.float32(_BCONST / np.pi))
    arg_sq = 16.0 - 4294967296.0 * (k * k)
    safe = jnp.where(arg_sq > 0, arg_sq, 1.0)
    arg = jnp.sqrt(safe)
    ba = np.float32(_BCONST) * arg
    sh = (jnp.exp(ba) - jnp.exp(-ba)) * np.float32(0.5)
    val = sh / (arg * np.float32(np.pi))
    ak = jnp.abs(k)
    out = jnp.where(ak < _THR, val, out)
    out = jnp.where(ak > _THR, jnp.zeros_like(k), out)
    return out


_BM = 8192
_NBLK = _P_HALF // _BM


def _combine_body(x_ref, g_ref, ore_ref, oim_ref):
    xb = x_ref[0, 0, :]
    ci = jnp.ceil(65536.0 * xb).astype(jnp.int32)
    bse = ci - 4
    s = jnp.bitwise_and(bse, 7)
    p0 = bse - s
    gt = g_ref[0, :, :_ROWW].T
    acc_re = jnp.zeros_like(xb)
    acc_im = jnp.zeros_like(xb)
    for j in range(16):
        p = p0 + j
        k = xb - p.astype(jnp.float32) / 65536.0
        w = _window(k)
        w = jnp.where((j >= s) & (j < s + 8), w, jnp.zeros_like(w))
        acc_re = acc_re + w * gt[j, :]
        acc_im = acc_im + w * gt[16 + j, :]
    ore_ref[0, 0, :] = acc_re
    oim_ref[0, 0, :] = acc_im


def _tc_combine(xf, g):
    return pl.pallas_call(
        _combine_body,
        grid=(_NBLK,),
        in_specs=[
            pl.BlockSpec((1, 1, _BM), lambda i: (i, 0, 0)),
            pl.BlockSpec((1, _BM, 128), lambda i: (i, 0, 0)),
        ],
        out_specs=[
            pl.BlockSpec((1, 1, _BM), lambda i: (i, 0, 0)),
            pl.BlockSpec((1, 1, _BM), lambda i: (i, 0, 0)),
        ],
        out_shape=[
            jax.ShapeDtypeStruct((_NBLK, 1, _BM), jnp.float32),
            jax.ShapeDtypeStruct((_NBLK, 1, _BM), jnp.float32),
        ],
    )(xf, g)


def _mk_table(fre, fim, nrows):
    re8 = fre[: 8 * (nrows + 1)].reshape(nrows + 1, 8)
    im8 = fim[: 8 * (nrows + 1)].reshape(nrows + 1, 8)
    return jnp.concatenate((re8[:-1], re8[1:], im8[:-1], im8[1:]), axis=1)


def _half(x_half, table, idx):
    gathered = _sc_gather(table, idx)
    xf = x_half.reshape(_NBLK, 1, _BM)
    return _tc_combine(xf, gathered.reshape(_NBLK, _BM, 128))


def _reim_flat(gg):
    gre = jnp.concatenate(
        (jnp.real(gg[:, _N:]), jnp.real(gg[:, :_N])), axis=1).reshape(-1)
    gim = jnp.concatenate(
        (jnp.imag(gg[:, _N:]), jnp.imag(gg[:, :_N])), axis=1).reshape(-1)
    return gre, gim


def kernel(x, f_hat, phi_hat):
    g_hat = (f_hat[:6] / phi_hat) * np.float32(1e-10)
    zmid = jnp.zeros((6, _N), dtype=g_hat.dtype)
    y = jnp.concatenate(
        (g_hat[:, _N // 2:], zmid, g_hat[:, : _N // 2]), axis=1)
    areA, aimA = _reim_flat(jnp.fft.ifft(y[:4], norm="forward"))
    areB, aimB = _reim_flat(jnp.fft.ifft(y[4:6], norm="forward"))

    ci = jnp.ceil(65536.0 * x).astype(jnp.int32)
    idx0 = ci - 4 + 32768 + 32768 * jnp.arange(_B, dtype=jnp.int32)[:, None]
    r = (idx0 >> 3).reshape(-1)

    table0 = _mk_table(areA, aimA, _T0_ROWS)
    out0 = _half(x[:4], table0, r[:_P_HALF])

    t1re = jnp.concatenate((areA[8 * _T1_BASE:], areB[: 8 * 8193]))
    t1im = jnp.concatenate((aimA[8 * _T1_BASE:], aimB[: 8 * 8193]))
    table1 = _mk_table(t1re, t1im, _T1_ROWS)
    out1 = _half(x[4:], table1, r[_P_HALF:] - _T1_BASE)

    fre = jnp.concatenate((out0[0], out1[0])).reshape(_B, _M_PTS)
    fim = jnp.concatenate((out0[1], out1[1])).reshape(_B, _M_PTS)
    return lax.complex(fre, fim).astype(jnp.complex64)

# --- scband reference (transcript-rebuilt; emitter-appended) ---
"""Pipeline reference for scband-nfft-32504312496637 (READ-ONLY COPY).

The authoritative reference and input builder live on the scoring server;
editing this copy changes nothing except your own understanding.
"""

import jax, jax.numpy as jnp
import numpy as np
from jax.scipy.special import i0

N = 32768          # spectral size (init kwarg)
M_WIN = 4          # window cutoff m (init kwarg)
SIGMA = 2.0        # oversampling (init kwarg)
n = int(SIGMA * N) # 65536 oversampled grid
B = 8              # batch
M_PTS = 32768      # nonuniform points per batch (= n//2 keeps flat indices in-bounds)
SIGMA_WIN = n / N  # KaiserBesselWindow sigma = n/N


def window_phi(k):
    # KaiserBesselWindow.forward (conj of a real window == the window itself)
    b = (2.0 - 1.0 / SIGMA_WIN) * jnp.pi
    out = (b / jnp.pi) * jnp.ones_like(k)
    arg_sq = float(M_WIN) ** 2 - float(n) ** 2 * k ** 2
    safe = jnp.where(arg_sq > 0, arg_sq, 1.0)
    arg = jnp.sqrt(safe)
    val = jnp.sinh(b * arg) / (arg * jnp.pi)
    out = jnp.where(jnp.abs(k) < M_WIN / n, val, out)
    out = jnp.where(jnp.abs(k) > M_WIN / n, 0.0, out)
    return out / 1e10


def setup_inputs(seed: int = 0):
    key = jax.random.key(seed)
    k1, k2 = jax.random.split(key)
    x = jax.random.uniform(k1, (B, M_PTS), dtype=jnp.float32)  # fill=rand, in [0,1)
    f_hat = jax.random.normal(k2, (B, N), dtype=jnp.float32)   # fill=randn
    # KaiserBesselWindow.Fourier_coefficients buffer (self.ft)
    finds = jnp.arange(-(N // 2), N // 2, dtype=jnp.float32)
    b = (2.0 - 1.0 / SIGMA_WIN) * jnp.pi
    phi_hat = i0(M_WIN * jnp.sqrt(b ** 2 - (2.0 * jnp.pi * finds / n) ** 2)) / 1e10
    return {"x": x, "f_hat": f_hat, "phi_hat": phi_hat}


def reference(x, f_hat, phi_hat):
    # forward_nfft
    g_hat = f_hat / phi_hat
    pad = jnp.zeros((x.shape[0], (n - N) // 2), dtype=g_hat.dtype)
    # torch.fft.fftshift with no dim shifts ALL axes; jnp default matches
    g_hat = jnp.fft.fftshift(jnp.concatenate((pad, g_hat, pad), axis=1))
    g = jnp.fft.ifftshift(jnp.fft.ifft(g_hat, norm='forward'))
    # sparse_convolution
    l = jnp.arange(0, 2 * M_WIN, dtype=jnp.int32).reshape(2 * M_WIN, 1, 1)
    inds0 = (jnp.ceil(n * x).astype(jnp.int32) - M_WIN)[None, :, :] + l
    increments = window_phi(x[None, :, :] - inds0 / n).astype(jnp.complex64)
    inds = inds0 + n // 2 + x.shape[1] * jnp.arange(0, x.shape[0], dtype=jnp.int32)[:, None]
    g_l = g.reshape(-1)[inds.reshape(-1)].reshape(increments.shape)
    increments = increments * g_l
    f = jnp.sum(increments, 0)
    return f

if __name__ == "__main__":
    import jax
    _d = setup_inputs()
    print(jax.jit(kernel)(*tuple(_d.values())))

</pallas_src>

<mosaic_0001>
#map = affine_map<(d0, d1) -> (0, 0)>
#map1 = affine_map<(d0, d1) -> (0)>
module attributes {stable_mosaic.version = 14 : i64} {
  func.func @k(%arg0: i32, %arg1: i32, %arg2: memref<20488x32xf32, #tpu.memory_space<hbm>>, %arg3: memref<131072xi32, #tpu.memory_space<hbm>>, %arg4: memref<131072x128xf32, #tpu.memory_space<hbm>>, %arg5: memref<4096xi32, #tpu.memory_space<vmem>>, %arg6: memref<128x32xf32, #tpu.memory_space<vmem>>, %arg7: memref<128x32xf32, #tpu.memory_space<vmem>>, %arg8: memref<!tpu.dma_semaphore, #tpu.memory_space<semaphore_mem>>, %arg9: memref<!tpu.dma_semaphore, #tpu.memory_space<semaphore_mem>>, %arg10: memref<!tpu.dma_semaphore, #tpu.memory_space<semaphore_mem>>, %arg11: memref<!tpu.dma_semaphore, #tpu.memory_space<semaphore_mem>>) attributes {dimension_semantics = [#tpu.dimension_semantics<core_parallel>, #tpu.dimension_semantics<subcore_parallel>], iteration_bounds = array<i64: 2, 16>, scalar_prefetch = 0 : i64, scratch_operands = 7 : i64, tpu.core_type = #tpu.core_type<sc_vector_subcore>, window_params = [{transform_indices = #map}, {transform_indices = #map1}, {transform_indices = #map}]} {
    %mul3A = arith.constant 2 : i32
    %mul3A_0 = arith.muli %arg1, %mul3A : i32
    %add3A = arith.addi %mul3A_0, %arg0 : i32
    %mul3A_1 = arith.constant 4096 : i32
    %mul3A_2 = arith.muli %add3A, %mul3A_1 : i32
    %multiple_of3A = tpu.assume_multiple %mul3A_2, 4096 : i32
    "tpu.region"() ({
      %run_scoped3A = tpu.sem_alloc : memref<!tpu.dma_semaphore, #tpu.memory_space<semaphore_mem>>
      %dma_start3A_31 = tpu.memref_slice %arg3[%multiple_of3A] : memref<131072xi32, #tpu.memory_space<hbm>> -> memref<4096xi32, #tpu.memory_space<hbm>>
      %dma_start3A_32 = tpu.memref_slice %arg3[%multiple_of3A] : memref<131072xi32, #tpu.memory_space<hbm>> -> memref<4096xi32, #tpu.memory_space<hbm>>
      tpu.enqueue_dma source(%dma_start3A_32 : memref<4096xi32, #tpu.memory_space<hbm>>) target(%arg5 : memref<4096xi32, #tpu.memory_space<vmem>>) target_semaphore(%run_scoped3A : memref<!tpu.dma_semaphore, #tpu.memory_space<semaphore_mem>>)
      %dma_wait3A_33 = tpu.memref_slice %arg3[%multiple_of3A] : memref<131072xi32, #tpu.memory_space<hbm>> -> memref<4096xi32, #tpu.memory_space<hbm>>
      %dma_wait3A_34 = tpu.memref_slice %arg3[%multiple_of3A] : memref<131072xi32, #tpu.memory_space<hbm>> -> memref<4096xi32, #tpu.memory_space<hbm>>
      tpu.wait_dma2 semaphore(%run_scoped3A : memref<!tpu.dma_semaphore, #tpu.memory_space<semaphore_mem>>) src(%dma_wait3A_34 : memref<4096xi32, #tpu.memory_space<hbm>>) dst(%arg5 : memref<4096xi32, #tpu.memory_space<vmem>>)
      tpu.yield
    }) : () -> ()
    %multiple_of3A_3 = arith.constant 0 : i32
    %multiple_of3A_4 = tpu.assume_multiple %multiple_of3A_3, 128 : i32
    %dma_start3A = tpu.memref_slice %arg5[%multiple_of3A_4] : memref<4096xi32, #tpu.memory_space<vmem>> -> memref<128xi32, #tpu.memory_space<vmem>>
    %dma_start3A_5 = arith.constant 0 : i32
    %dma_start3A_6 = arith.constant 0 : i32
    %dma_start3A_7 = tpu.memref_slice %arg2[%dma_start3A_5, %dma_start3A_6] : memref<20488x32xf32, #tpu.memory_space<hbm>> -> memref<20488x32xf32, #tpu.memory_space<hbm>>
    tpu.enqueue_indirect_dma source(%dma_start3A_7 : memref<20488x32xf32, #tpu.memory_space<hbm>>) target(%arg6 : memref<128x32xf32, #tpu.memory_space<vmem>>) offsets(%dma_start3A : memref<128xi32, #tpu.memory_space<vmem>>) semaphore(%arg8 : memref<!tpu.dma_semaphore, #tpu.memory_space<semaphore_mem>>)
    %multiple_of3A_8 = arith.constant 128 : i32
    %multiple_of3A_9 = tpu.assume_multiple %multiple_of3A_8, 128 : i32
    %dma_start3A_10 = tpu.memref_slice %arg5[%multiple_of3A_9] : memref<4096xi32, #tpu.memory_space<vmem>> -> memref<128xi32, #tpu.memory_space<vmem>>
    %dma_start3A_11 = arith.constant 0 : i32
    %dma_start3A_12 = arith.constant 0 : i32
    %dma_start3A_13 = tpu.memref_slice %arg2[%dma_start3A_11, %dma_start3A_12] : memref<20488x32xf32, #tpu.memory_space<hbm>> -> memref<20488x32xf32, #tpu.memory_space<hbm>>
    tpu.enqueue_indirect_dma source(%dma_start3A_13 : memref<20488x32xf32, #tpu.memory_space<hbm>>) target(%arg7 : memref<128x32xf32, #tpu.memory_space<vmem>>) offsets(%dma_start3A_10 : memref<128xi32, #tpu.memory_space<vmem>>) semaphore(%arg9 : memref<!tpu.dma_semaphore, #tpu.memory_space<semaphore_mem>>)
    %scan3A = arith.constant 0 : i32
    %scan3A_14 = arith.constant 16 : i32
    %scan3A_15 = arith.addi %scan3A, %scan3A_14 : i32
    %scan3A_16 = arith.constant 1 : i32
    scf.for %scan3A_31 = %scan3A to %scan3A_15 step %scan3A_16  : i32 {
      %mul3A_32 = arith.constant 2 : i32
      %mul3A_33 = arith.muli %scan3A_31, %mul3A_32 : i32
      %add3A_34 = arith.constant 0 : i32
      %add3A_35 = arith.addi %add3A_34, %mul3A_33 : i32
      %mul3A_36 = arith.constant 128 : i32
      %mul3A_37 = arith.muli %add3A_35, %mul3A_36 : i32
      %multiple_of3A_38 = tpu.assume_multiple %mul3A_37, 128 : i32
      %dma_wait3A_39 = tpu.memref_slice %arg5[%multiple_of3A_38] : memref<4096xi32, #tpu.memory_space<vmem>> -> memref<128xi32, #tpu.memory_space<vmem>>
      %dma_wait3A_40 = arith.constant 0 : i32
      %dma_wait3A_41 = arith.constant 0 : i32
      %dma_wait3A_42 = tpu.memref_slice %arg2[%dma_wait3A_40, %dma_wait3A_41] : memref<20488x32xf32, #tpu.memory_space<hbm>> -> memref<20488x32xf32, #tpu.memory_space<hbm>>
      tpu.wait_indirect_dma semaphore(%arg8 : memref<!tpu.dma_semaphore, #tpu.memory_space<semaphore_mem>>) src(%dma_wait3A_42 : memref<20488x32xf32, #tpu.memory_space<hbm>>) dst(%arg6 : memref<128x32xf32, #tpu.memory_space<vmem>>)
      %mul3A_43 = arith.constant 128 : i32
      %mul3A_44 = arith.muli %add3A_35, %mul3A_43 : i32
      %add3A_45 = arith.addi %multiple_of3A, %mul3A_44 : i32
      %multiple_of3A_46 = tpu.assume_multiple %add3A_45, 128 : i32
      %dma_start3A_47 = arith.constant 0 : i32
      %dma_start3A_48 = tpu.memref_slice %arg4[%multiple_of3A_46, %dma_start3A_47] : memref<131072x128xf32, #tpu.memory_space<hbm>> -> memref<128x32xf32, #tpu.memory_space<hbm>>
      %dma_start3A_49 = arith.constant 0 : i32
      %dma_start3A_50 = tpu.memref_slice %arg4[%multiple_of3A_46, %dma_start3A_49] : memref<131072x128xf32, #tpu.memory_space<hbm>> -> memref<128x32xf32, #tpu.memory_space<hbm>>
      tpu.enqueue_dma source(%arg6 : memref<128x32xf32, #tpu.memory_space<vmem>>) target(%dma_start3A_50 : memref<128x32xf32, #tpu.memory_space<hbm>>) target_semaphore(%arg10 : memref<!tpu.dma_semaphore, #tpu.memory_space<semaphore_mem>>)
      %add3A_51 = arith.constant 1 : i32
      %add3A_52 = arith.addi %add3A_35, %add3A_51 : i32
      %mul3A_53 = arith.constant 128 : i32
      %mul3A_54 = arith.muli %add3A_52, %mul3A_53 : i32
      %multiple_of3A_55 = tpu.assume_multiple %mul3A_54, 128 : i32
      %dma_wait3A_56 = tpu.memref_slice %arg5[%multiple_of3A_55] : memref<4096xi32, #tpu.memory_space<vmem>> -> memref<128xi32, #tpu.memory_space<vmem>>
      %dma_wait3A_57 = arith.constant 0 : i32
      %dma_wait3A_58 = arith.constant 0 : i32
      %dma_wait3A_59 = tpu.memref_slice %arg2[%dma_wait3A_57, %dma_wait3A_58] : memref<20488x32xf32, #tpu.memory_space<hbm>> -> memref<20488x32xf32, #tpu.memory_space<hbm>>
      tpu.wait_indirect_dma semaphore(%arg9 : memref<!tpu.dma_semaphore, #tpu.memory_space<semaphore_mem>>) src(%dma_wait3A_59 : memref<20488x32xf32, #tpu.memory_space<hbm>>) dst(%arg7 : memref<128x32xf32, #tpu.memory_space<vmem>>)
      %add3A_60 = arith.constant 1 : i32
      %add3A_61 = arith.addi %add3A_35, %add3A_60 : i32
      %mul3A_62 = arith.constant 128 : i32
      %mul3A_63 = arith.muli %add3A_61, %mul3A_62 : i32
      %add3A_64 = arith.addi %multiple_of3A, %mul3A_63 : i32
      %multiple_of3A_65 = tpu.assume_multiple %add3A_64, 128 : i32
      %dma_start3A_66 = arith.constant 0 : i32
      %dma_start3A_67 = tpu.memref_slice %arg4[%multiple_of3A_65, %dma_start3A_66] : memref<131072x128xf32, #tpu.memory_space<hbm>> -> memref<128x32xf32, #tpu.memory_space<hbm>>
      %dma_start3A_68 = arith.constant 0 : i32
      %dma_start3A_69 = tpu.memref_slice %arg4[%multiple_of3A_65, %dma_start3A_68] : memref<131072x128xf32, #tpu.memory_space<hbm>> -> memref<128x32xf32, #tpu.memory_space<hbm>>
      tpu.enqueue_dma source(%arg7 : memref<128x32xf32, #tpu.memory_space<vmem>>) target(%dma_start3A_69 : memref<128x32xf32, #tpu.memory_space<hbm>>) target_semaphore(%arg11 : memref<!tpu.dma_semaphore, #tpu.memory_space<semaphore_mem>>)
      %add3A_70 = arith.constant 2 : i32
      %add3A_71 = arith.addi %add3A_35, %add3A_70 : i32
      %lt3A = arith.constant 32 : i32
      %lt3A_72 = arith.cmpi slt, %add3A_71, %lt3A : i32
      %convert_element_type3A = arith.extui %lt3A_72 : i1 to i32
      %cond3A = arith.constant 0 : i32
      %cond3A_73 = arith.cmpi ne, %convert_element_type3A, %cond3A : i32
      scf.if %cond3A_73 {
        %mul3A_81 = arith.constant 128 : i32
        %mul3A_82 = arith.muli %add3A_35, %mul3A_81 : i32
        %add3A_83 = arith.addi %multiple_of3A, %mul3A_82 : i32
        %multiple_of3A_84 = tpu.assume_multiple %add3A_83, 128 : i32
        %dma_wait3A_85 = arith.constant 0 : i32
        %dma_wait3A_86 = tpu.memref_slice %arg4[%multiple_of3A_84, %dma_wait3A_85] : memref<131072x128xf32, #tpu.memory_space<hbm>> -> memref<128x32xf32, #tpu.memory_space<hbm>>
        %dma_wait3A_87 = arith.constant 0 : i32
        %dma_wait3A_88 = tpu.memref_slice %arg4[%multiple_of3A_84, %dma_wait3A_87] : memref<131072x128xf32, #tpu.memory_space<hbm>> -> memref<128x32xf32, #tpu.memory_space<hbm>>
        tpu.wait_dma2 semaphore(%arg10 : memref<!tpu.dma_semaphore, #tpu.memory_space<semaphore_mem>>) src(%arg6 : memref<128x32xf32, #tpu.memory_space<vmem>>) dst(%dma_wait3A_88 : memref<128x32xf32, #tpu.memory_space<hbm>>)
        %add3A_89 = arith.constant 2 : i32
        %add3A_90 = arith.addi %add3A_35, %add3A_89 : i32
        %mul3A_91 = arith.constant 128 : i32
        %mul3A_92 = arith.muli %add3A_90, %mul3A_91 : i32
        %multiple_of3A_93 = tpu.assume_multiple %mul3A_92, 128 : i32
        %dma_start3A_94 = tpu.memref_slice %arg5[%multiple_of3A_93] : memref<4096xi32, #tpu.memory_space<vmem>> -> memref<128xi32, #tpu.memory_space<vmem>>
        %dma_start3A_95 = arith.constant 0 : i32
        %dma_start3A_96 = arith.constant 0 : i32
        %dma_start3A_97 = tpu.memref_slice %arg2[%dma_start3A_95, %dma_start3A_96] : memref<20488x32xf32, #tpu.memory_space<hbm>> -> memref<20488x32xf32, #tpu.memory_space<hbm>>
        tpu.enqueue_indirect_dma source(%dma_start3A_97 : memref<20488x32xf32, #tpu.memory_space<hbm>>) target(%arg6 : memref<128x32xf32, #tpu.memory_space<vmem>>) offsets(%dma_start3A_94 : memref<128xi32, #tpu.memory_space<vmem>>) semaphore(%arg8 : memref<!tpu.dma_semaphore, #tpu.memory_space<semaphore_mem>>)
      } else {
      }
      %add3A_74 = arith.constant 3 : i32
      %add3A_75 = arith.addi %add3A_35, %add3A_74 : i32
      %lt3A_76 = arith.constant 32 : i32
      %lt3A_77 = arith.cmpi slt, %add3A_75, %lt3A_76 : i32
      %convert_element_type3A_78 = arith.extui %lt3A_77 : i1 to i32
      %cond3A_79 = arith.constant 0 : i32
      %cond3A_80 = arith.cmpi ne, %convert_element_type3A_78, %cond3A_79 : i32
      scf.if %cond3A_80 {
        %add3A_81 = arith.constant 1 : i32
        %add3A_82 = arith.addi %add3A_35, %add3A_81 : i32
        %mul3A_83 = arith.constant 128 : i32
        %mul3A_84 = arith.muli %add3A_82, %mul3A_83 : i32
        %add3A_85 = arith.addi %multiple_of3A, %mul3A_84 : i32
        %multiple_of3A_86 = tpu.assume_multiple %add3A_85, 128 : i32
        %dma_wait3A_87 = arith.constant 0 : i32
        %dma_wait3A_88 = tpu.memref_slice %arg4[%multiple_of3A_86, %dma_wait3A_87] : memref<131072x128xf32, #tpu.memory_space<hbm>> -> memref<128x32xf32, #tpu.memory_space<hbm>>
        %dma_wait3A_89 = arith.constant 0 : i32
        %dma_wait3A_90 = tpu.memref_slice %arg4[%multiple_of3A_86, %dma_wait3A_89] : memref<131072x128xf32, #tpu.memory_space<hbm>> -> memref<128x32xf32, #tpu.memory_space<hbm>>
        tpu.wait_dma2 semaphore(%arg11 : memref<!tpu.dma_semaphore, #tpu.memory_space<semaphore_mem>>) src(%arg7 : memref<128x32xf32, #tpu.memory_space<vmem>>) dst(%dma_wait3A_90 : memref<128x32xf32, #tpu.memory_space<hbm>>)
        %add3A_91 = arith.constant 3 : i32
        %add3A_92 = arith.addi %add3A_35, %add3A_91 : i32
        %mul3A_93 = arith.constant 128 : i32
        %mul3A_94 = arith.muli %add3A_92, %mul3A_93 : i32
        %multiple_of3A_95 = tpu.assume_multiple %mul3A_94, 128 : i32
        %dma_start3A_96 = tpu.memref_slice %arg5[%multiple_of3A_95] : memref<4096xi32, #tpu.memory_space<vmem>> -> memref<128xi32, #tpu.memory_space<vmem>>
        %dma_start3A_97 = arith.constant 0 : i32
        %dma_start3A_98 = arith.constant 0 : i32
        %dma_start3A_99 = tpu.memref_slice %arg2[%dma_start3A_97, %dma_start3A_98] : memref<20488x32xf32, #tpu.memory_space<hbm>> -> memref<20488x32xf32, #tpu.memory_space<hbm>>
        tpu.enqueue_indirect_dma source(%dma_start3A_99 : memref<20488x32xf32, #tpu.memory_space<hbm>>) target(%arg7 : memref<128x32xf32, #tpu.memory_space<vmem>>) offsets(%dma_start3A_96 : memref<128xi32, #tpu.memory_space<vmem>>) semaphore(%arg9 : memref<!tpu.dma_semaphore, #tpu.memory_space<semaphore_mem>>)
      } else {
      }
    }
    %scan3A_17 = arith.constant 16 : i32
    %add3A_18 = arith.constant 3840 : i32
    %add3A_19 = arith.addi %multiple_of3A, %add3A_18 : i32
    %multiple_of3A_20 = tpu.assume_multiple %add3A_19, 128 : i32
    %dma_wait3A = arith.constant 0 : i32
    %dma_wait3A_21 = tpu.memref_slice %arg4[%multiple_of3A_20, %dma_wait3A] : memref<131072x128xf32, #tpu.memory_space<hbm>> -> memref<128x32xf32, #tpu.memory_space<hbm>>
    %dma_wait3A_22 = arith.constant 0 : i32
    %dma_wait3A_23 = tpu.memref_slice %arg4[%multiple_of3A_20, %dma_wait3A_22] : memref<131072x128xf32, #tpu.memory_space<hbm>> -> memref<128x32xf32, #tpu.memory_space<hbm>>
    tpu.wait_dma2 semaphore(%arg10 : memref<!tpu.dma_semaphore, #tpu.memory_space<semaphore_mem>>) src(%arg6 : memref<128x32xf32, #tpu.memory_space<vmem>>) dst(%dma_wait3A_23 : memref<128x32xf32, #tpu.memory_space<hbm>>)
    %add3A_24 = arith.constant 3968 : i32
    %add3A_25 = arith.addi %multiple_of3A, %add3A_24 : i32
    %multiple_of3A_26 = tpu.assume_multiple %add3A_25, 128 : i32
    %dma_wait3A_27 = arith.constant 0 : i32
    %dma_wait3A_28 = tpu.memref_slice %arg4[%multiple_of3A_26, %dma_wait3A_27] : memref<131072x128xf32, #tpu.memory_space<hbm>> -> memref<128x32xf32, #tpu.memory_space<hbm>>
    %dma_wait3A_29 = arith.constant 0 : i32
    %dma_wait3A_30 = tpu.memref_slice %arg4[%multiple_of3A_26, %dma_wait3A_29] : memref<131072x128xf32, #tpu.memory_space<hbm>> -> memref<128x32xf32, #tpu.memory_space<hbm>>
    tpu.wait_dma2 semaphore(%arg11 : memref<!tpu.dma_semaphore, #tpu.memory_space<semaphore_mem>>) src(%arg7 : memref<128x32xf32, #tpu.memory_space<vmem>>) dst(%dma_wait3A_30 : memref<128x32xf32, #tpu.memory_space<hbm>>)
    return
  }
}

#map = affine_map<(d0, d1) -> (0, 0)>
#map1 = affine_map<(d0, d1) -> (0)>
module attributes {stable_mosaic.version = 14 : i64} {
  func.func @k(%arg0: i32, %arg1: i32, %arg2: memref<24584x32xf32, #tpu.memory_space<hbm>>, %arg3: memref<131072xi32, #tpu.memory_space<hbm>>, %arg4: memref<131072x128xf32, #tpu.memory_space<hbm>>, %arg5: memref<4096xi32, #tpu.memory_space<vmem>>, %arg6: memref<128x32xf32, #tpu.memory_space<vmem>>, %arg7: memref<128x32xf32, #tpu.memory_space<vmem>>, %arg8: memref<!tpu.dma_semaphore, #tpu.memory_space<semaphore_mem>>, %arg9: memref<!tpu.dma_semaphore, #tpu.memory_space<semaphore_mem>>, %arg10: memref<!tpu.dma_semaphore, #tpu.memory_space<semaphore_mem>>, %arg11: memref<!tpu.dma_semaphore, #tpu.memory_space<semaphore_mem>>) attributes {dimension_semantics = [#tpu.dimension_semantics<core_parallel>, #tpu.dimension_semantics<subcore_parallel>], iteration_bounds = array<i64: 2, 16>, scalar_prefetch = 0 : i64, scratch_operands = 7 : i64, tpu.core_type = #tpu.core_type<sc_vector_subcore>, window_params = [{transform_indices = #map}, {transform_indices = #map1}, {transform_indices = #map}]} {
    %mul3A = arith.constant 2 : i32
    %mul3A_0 = arith.muli %arg1, %mul3A : i32
    %add3A = arith.addi %mul3A_0, %arg0 : i32
    %mul3A_1 = arith.constant 4096 : i32
    %mul3A_2 = arith.muli %add3A, %mul3A_1 : i32
    %multiple_of3A = tpu.assume_multiple %mul3A_2, 4096 : i32
    "tpu.region"() ({
      %run_scoped3A = tpu.sem_alloc : memref<!tpu.dma_semaphore, #tpu.memory_space<semaphore_mem>>
      %dma_start3A_31 = tpu.memref_slice %arg3[%multiple_of3A] : memref<131072xi32, #tpu.memory_space<hbm>> -> memref<4096xi32, #tpu.memory_space<hbm>>
      %dma_start3A_32 = tpu.memref_slice %arg3[%multiple_of3A] : memref<131072xi32, #tpu.memory_space<hbm>> -> memref<4096xi32, #tpu.memory_space<hbm>>
      tpu.enqueue_dma source(%dma_start3A_32 : memref<4096xi32, #tpu.memory_space<hbm>>) target(%arg5 : memref<4096xi32, #tpu.memory_space<vmem>>) target_semaphore(%run_scoped3A : memref<!tpu.dma_semaphore, #tpu.memory_space<semaphore_mem>>)
      %dma_wait3A_33 = tpu.memref_slice %arg3[%multiple_of3A] : memref<131072xi32, #tpu.memory_space<hbm>> -> memref<4096xi32, #tpu.memory_space<hbm>>
      %dma_wait3A_34 = tpu.memref_slice %arg3[%multiple_of3A] : memref<131072xi32, #tpu.memory_space<hbm>> -> memref<4096xi32, #tpu.memory_space<hbm>>
      tpu.wait_dma2 semaphore(%run_scoped3A : memref<!tpu.dma_semaphore, #tpu.memory_space<semaphore_mem>>) src(%dma_wait3A_34 : memref<4096xi32, #tpu.memory_space<hbm>>) dst(%arg5 : memref<4096xi32, #tpu.memory_space<vmem>>)
      tpu.yield
    }) : () -> ()
    %multiple_of3A_3 = arith.constant 0 : i32
    %multiple_of3A_4 = tpu.assume_multiple %multiple_of3A_3, 128 : i32
    %dma_start3A = tpu.memref_slice %arg5[%multiple_of3A_4] : memref<4096xi32, #tpu.memory_space<vmem>> -> memref<128xi32, #tpu.memory_space<vmem>>
    %dma_start3A_5 = arith.constant 0 : i32
    %dma_start3A_6 = arith.constant 0 : i32
    %dma_start3A_7 = tpu.memref_slice %arg2[%dma_start3A_5, %dma_start3A_6] : memref<24584x32xf32, #tpu.memory_space<hbm>> -> memref<24584x32xf32, #tpu.memory_space<hbm>>
    tpu.enqueue_indirect_dma source(%dma_start3A_7 : memref<24584x32xf32, #tpu.memory_space<hbm>>) target(%arg6 : memref<128x32xf32, #tpu.memory_space<vmem>>) offsets(%dma_start3A : memref<128xi32, #tpu.memory_space<vmem>>) semaphore(%arg8 : memref<!tpu.dma_semaphore, #tpu.memory_space<semaphore_mem>>)
    %multiple_of3A_8 = arith.constant 128 : i32
    %multiple_of3A_9 = tpu.assume_multiple %multiple_of3A_8, 128 : i32
    %dma_start3A_10 = tpu.memref_slice %arg5[%multiple_of3A_9] : memref<4096xi32, #tpu.memory_space<vmem>> -> memref<128xi32, #tpu.memory_space<vmem>>
    %dma_start3A_11 = arith.constant 0 : i32
    %dma_start3A_12 = arith.constant 0 : i32
    %dma_start3A_13 = tpu.memref_slice %arg2[%dma_start3A_11, %dma_start3A_12] : memref<24584x32xf32, #tpu.memory_space<hbm>> -> memref<24584x32xf32, #tpu.memory_space<hbm>>
    tpu.enqueue_indirect_dma source(%dma_start3A_13 : memref<24584x32xf32, #tpu.memory_space<hbm>>) target(%arg7 : memref<128x32xf32, #tpu.memory_space<vmem>>) offsets(%dma_start3A_10 : memref<128xi32, #tpu.memory_space<vmem>>) semaphore(%arg9 : memref<!tpu.dma_semaphore, #tpu.memory_space<semaphore_mem>>)
    %scan3A = arith.constant 0 : i32
    %scan3A_14 = arith.constant 16 : i32
    %scan3A_15 = arith.addi %scan3A, %scan3A_14 : i32
    %scan3A_16 = arith.constant 1 : i32
    scf.for %scan3A_31 = %scan3A to %scan3A_15 step %scan3A_16  : i32 {
      %mul3A_32 = arith.constant 2 : i32
      %mul3A_33 = arith.muli %scan3A_31, %mul3A_32 : i32
      %add3A_34 = arith.constant 0 : i32
      %add3A_35 = arith.addi %add3A_34, %mul3A_33 : i32
      %mul3A_36 = arith.constant 128 : i32
      %mul3A_37 = arith.muli %add3A_35, %mul3A_36 : i32
      %multiple_of3A_38 = tpu.assume_multiple %mul3A_37, 128 : i32
      %dma_wait3A_39 = tpu.memref_slice %arg5[%multiple_of3A_38] : memref<4096xi32, #tpu.memory_space<vmem>> -> memref<128xi32, #tpu.memory_space<vmem>>
      %dma_wait3A_40 = arith.constant 0 : i32
      %dma_wait3A_41 = arith.constant 0 : i32
      %dma_wait3A_42 = tpu.memref_slice %arg2[%dma_wait3A_40, %dma_wait3A_41] : memref<24584x32xf32, #tpu.memory_space<hbm>> -> memref<24584x32xf32, #tpu.memory_space<hbm>>
      tpu.wait_indirect_dma semaphore(%arg8 : memref<!tpu.dma_semaphore, #tpu.memory_space<semaphore_mem>>) src(%dma_wait3A_42 : memref<24584x32xf32, #tpu.memory_space<hbm>>) dst(%arg6 : memref<128x32xf32, #tpu.memory_space<vmem>>)
      %mul3A_43 = arith.constant 128 : i32
      %mul3A_44 = arith.muli %add3A_35, %mul3A_43 : i32
      %add3A_45 = arith.addi %multiple_of3A, %mul3A_44 : i32
      %multiple_of3A_46 = tpu.assume_multiple %add3A_45, 128 : i32
      %dma_start3A_47 = arith.constant 0 : i32
      %dma_start3A_48 = tpu.memref_slice %arg4[%multiple_of3A_46, %dma_start3A_47] : memref<131072x128xf32, #tpu.memory_space<hbm>> -> memref<128x32xf32, #tpu.memory_space<hbm>>
      %dma_start3A_49 = arith.constant 0 : i32
      %dma_start3A_50 = tpu.memref_slice %arg4[%multiple_of3A_46, %dma_start3A_49] : memref<131072x128xf32, #tpu.memory_space<hbm>> -> memref<128x32xf32, #tpu.memory_space<hbm>>
      tpu.enqueue_dma source(%arg6 : memref<128x32xf32, #tpu.memory_space<vmem>>) target(%dma_start3A_50 : memref<128x32xf32, #tpu.memory_space<hbm>>) target_semaphore(%arg10 : memref<!tpu.dma_semaphore, #tpu.memory_space<semaphore_mem>>)
      %add3A_51 = arith.constant 1 : i32
      %add3A_52 = arith.addi %add3A_35, %add3A_51 : i32
      %mul3A_53 = arith.constant 128 : i32
      %mul3A_54 = arith.muli %add3A_52, %mul3A_53 : i32
      %multiple_of3A_55 = tpu.assume_multiple %mul3A_54, 128 : i32
      %dma_wait3A_56 = tpu.memref_slice %arg5[%multiple_of3A_55] : memref<4096xi32, #tpu.memory_space<vmem>> -> memref<128xi32, #tpu.memory_space<vmem>>
      %dma_wait3A_57 = arith.constant 0 : i32
      %dma_wait3A_58 = arith.constant 0 : i32
      %dma_wait3A_59 = tpu.memref_slice %arg2[%dma_wait3A_57, %dma_wait3A_58] : memref<24584x32xf32, #tpu.memory_space<hbm>> -> memref<24584x32xf32, #tpu.memory_space<hbm>>
      tpu.wait_indirect_dma semaphore(%arg9 : memref<!tpu.dma_semaphore, #tpu.memory_space<semaphore_mem>>) src(%dma_wait3A_59 : memref<24584x32xf32, #tpu.memory_space<hbm>>) dst(%arg7 : memref<128x32xf32, #tpu.memory_space<vmem>>)
      %add3A_60 = arith.constant 1 : i32
      %add3A_61 = arith.addi %add3A_35, %add3A_60 : i32
      %mul3A_62 = arith.constant 128 : i32
      %mul3A_63 = arith.muli %add3A_61, %mul3A_62 : i32
      %add3A_64 = arith.addi %multiple_of3A, %mul3A_63 : i32
      %multiple_of3A_65 = tpu.assume_multiple %add3A_64, 128 : i32
      %dma_start3A_66 = arith.constant 0 : i32
      %dma_start3A_67 = tpu.memref_slice %arg4[%multiple_of3A_65, %dma_start3A_66] : memref<131072x128xf32, #tpu.memory_space<hbm>> -> memref<128x32xf32, #tpu.memory_space<hbm>>
      %dma_start3A_68 = arith.constant 0 : i32
      %dma_start3A_69 = tpu.memref_slice %arg4[%multiple_of3A_65, %dma_start3A_68] : memref<131072x128xf32, #tpu.memory_space<hbm>> -> memref<128x32xf32, #tpu.memory_space<hbm>>
      tpu.enqueue_dma source(%arg7 : memref<128x32xf32, #tpu.memory_space<vmem>>) target(%dma_start3A_69 : memref<128x32xf32, #tpu.memory_space<hbm>>) target_semaphore(%arg11 : memref<!tpu.dma_semaphore, #tpu.memory_space<semaphore_mem>>)
      %add3A_70 = arith.constant 2 : i32
      %add3A_71 = arith.addi %add3A_35, %add3A_70 : i32
      %lt3A = arith.constant 32 : i32
      %lt3A_72 = arith.cmpi slt, %add3A_71, %lt3A : i32
      %convert_element_type3A = arith.extui %lt3A_72 : i1 to i32
      %cond3A = arith.constant 0 : i32
      %cond3A_73 = arith.cmpi ne, %convert_element_type3A, %cond3A : i32
      scf.if %cond3A_73 {
        %mul3A_81 = arith.constant 128 : i32
        %mul3A_82 = arith.muli %add3A_35, %mul3A_81 : i32
        %add3A_83 = arith.addi %multiple_of3A, %mul3A_82 : i32
        %multiple_of3A_84 = tpu.assume_multiple %add3A_83, 128 : i32
        %dma_wait3A_85 = arith.constant 0 : i32
        %dma_wait3A_86 = tpu.memref_slice %arg4[%multiple_of3A_84, %dma_wait3A_85] : memref<131072x128xf32, #tpu.memory_space<hbm>> -> memref<128x32xf32, #tpu.memory_space<hbm>>
        %dma_wait3A_87 = arith.constant 0 : i32
        %dma_wait3A_88 = tpu.memref_slice %arg4[%multiple_of3A_84, %dma_wait3A_87] : memref<131072x128xf32, #tpu.memory_space<hbm>> -> memref<128x32xf32, #tpu.memory_space<hbm>>
        tpu.wait_dma2 semaphore(%arg10 : memref<!tpu.dma_semaphore, #tpu.memory_space<semaphore_mem>>) src(%arg6 : memref<128x32xf32, #tpu.memory_space<vmem>>) dst(%dma_wait3A_88 : memref<128x32xf32, #tpu.memory_space<hbm>>)
        %add3A_89 = arith.constant 2 : i32
        %add3A_90 = arith.addi %add3A_35, %add3A_89 : i32
        %mul3A_91 = arith.constant 128 : i32
        %mul3A_92 = arith.muli %add3A_90, %mul3A_91 : i32
        %multiple_of3A_93 = tpu.assume_multiple %mul3A_92, 128 : i32
        %dma_start3A_94 = tpu.memref_slice %arg5[%multiple_of3A_93] : memref<4096xi32, #tpu.memory_space<vmem>> -> memref<128xi32, #tpu.memory_space<vmem>>
        %dma_start3A_95 = arith.constant 0 : i32
        %dma_start3A_96 = arith.constant 0 : i32
        %dma_start3A_97 = tpu.memref_slice %arg2[%dma_start3A_95, %dma_start3A_96] : memref<24584x32xf32, #tpu.memory_space<hbm>> -> memref<24584x32xf32, #tpu.memory_space<hbm>>
        tpu.enqueue_indirect_dma source(%dma_start3A_97 : memref<24584x32xf32, #tpu.memory_space<hbm>>) target(%arg6 : memref<128x32xf32, #tpu.memory_space<vmem>>) offsets(%dma_start3A_94 : memref<128xi32, #tpu.memory_space<vmem>>) semaphore(%arg8 : memref<!tpu.dma_semaphore, #tpu.memory_space<semaphore_mem>>)
      } else {
      }
      %add3A_74 = arith.constant 3 : i32
      %add3A_75 = arith.addi %add3A_35, %add3A_74 : i32
      %lt3A_76 = arith.constant 32 : i32
      %lt3A_77 = arith.cmpi slt, %add3A_75, %lt3A_76 : i32
      %convert_element_type3A_78 = arith.extui %lt3A_77 : i1 to i32
      %cond3A_79 = arith.constant 0 : i32
      %cond3A_80 = arith.cmpi ne, %convert_element_type3A_78, %cond3A_79 : i32
      scf.if %cond3A_80 {
        %add3A_81 = arith.constant 1 : i32
        %add3A_82 = arith.addi %add3A_35, %add3A_81 : i32
        %mul3A_83 = arith.constant 128 : i32
        %mul3A_84 = arith.muli %add3A_82, %mul3A_83 : i32
        %add3A_85 = arith.addi %multiple_of3A, %mul3A_84 : i32
        %multiple_of3A_86 = tpu.assume_multiple %add3A_85, 128 : i32
        %dma_wait3A_87 = arith.constant 0 : i32
        %dma_wait3A_88 = tpu.memref_slice %arg4[%multiple_of3A_86, %dma_wait3A_87] : memref<131072x128xf32, #tpu.memory_space<hbm>> -> memref<128x32xf32, #tpu.memory_space<hbm>>
        %dma_wait3A_89 = arith.constant 0 : i32
        %dma_wait3A_90 = tpu.memref_slice %arg4[%multiple_of3A_86, %dma_wait3A_89] : memref<131072x128xf32, #tpu.memory_space<hbm>> -> memref<128x32xf32, #tpu.memory_space<hbm>>
        tpu.wait_dma2 semaphore(%arg11 : memref<!tpu.dma_semaphore, #tpu.memory_space<semaphore_mem>>) src(%arg7 : memref<128x32xf32, #tpu.memory_space<vmem>>) dst(%dma_wait3A_90 : memref<128x32xf32, #tpu.memory_space<hbm>>)
        %add3A_91 = arith.constant 3 : i32
        %add3A_92 = arith.addi %add3A_35, %add3A_91 : i32
        %mul3A_93 = arith.constant 128 : i32
        %mul3A_94 = arith.muli %add3A_92, %mul3A_93 : i32
        %multiple_of3A_95 = tpu.assume_multiple %mul3A_94, 128 : i32
        %dma_start3A_96 = tpu.memref_slice %arg5[%multiple_of3A_95] : memref<4096xi32, #tpu.memory_space<vmem>> -> memref<128xi32, #tpu.memory_space<vmem>>
        %dma_start3A_97 = arith.constant 0 : i32
        %dma_start3A_98 = arith.constant 0 : i32
        %dma_start3A_99 = tpu.memref_slice %arg2[%dma_start3A_97, %dma_start3A_98] : memref<24584x32xf32, #tpu.memory_space<hbm>> -> memref<24584x32xf32, #tpu.memory_space<hbm>>
        tpu.enqueue_indirect_dma source(%dma_start3A_99 : memref<24584x32xf32, #tpu.memory_space<hbm>>) target(%arg7 : memref<128x32xf32, #tpu.memory_space<vmem>>) offsets(%dma_start3A_96 : memref<128xi32, #tpu.memory_space<vmem>>) semaphore(%arg9 : memref<!tpu.dma_semaphore, #tpu.memory_space<semaphore_mem>>)
      } else {
      }
    }
    %scan3A_17 = arith.constant 16 : i32
    %add3A_18 = arith.constant 3840 : i32
    %add3A_19 = arith.addi %multiple_of3A, %add3A_18 : i32
    %multiple_of3A_20 = tpu.assume_multiple %add3A_19, 128 : i32
    %dma_wait3A = arith.constant 0 : i32
    %dma_wait3A_21 = tpu.memref_slice %arg4[%multiple_of3A_20, %dma_wait3A] : memref<131072x128xf32, #tpu.memory_space<hbm>> -> memref<128x32xf32, #tpu.memory_space<hbm>>
    %dma_wait3A_22 = arith.constant 0 : i32
    %dma_wait3A_23 = tpu.memref_slice %arg4[%multiple_of3A_20, %dma_wait3A_22] : memref<131072x128xf32, #tpu.memory_space<hbm>> -> memref<128x32xf32, #tpu.memory_space<hbm>>
    tpu.wait_dma2 semaphore(%arg10 : memref<!tpu.dma_semaphore, #tpu.memory_space<semaphore_mem>>) src(%arg6 : memref<128x32xf32, #tpu.memory_space<vmem>>) dst(%dma_wait3A_23 : memref<128x32xf32, #tpu.memory_space<hbm>>)
    %add3A_24 = arith.constant 3968 : i32
    %add3A_25 = arith.addi %multiple_of3A, %add3A_24 : i32
    %multiple_of3A_26 = tpu.assume_multiple %add3A_25, 128 : i32
    %dma_wait3A_27 = arith.constant 0 : i32
    %dma_wait3A_28 = tpu.memref_slice %arg4[%multiple_of3A_26, %dma_wait3A_27] : memref<131072x128xf32, #tpu.memory_space<hbm>> -> memref<128x32xf32, #tpu.memory_space<hbm>>
    %dma_wait3A_29 = arith.constant 0 : i32
    %dma_wait3A_30 = tpu.memref_slice %arg4[%multiple_of3A_26, %dma_wait3A_29] : memref<131072x128xf32, #tpu.memory_space<hbm>> -> memref<128x32xf32, #tpu.memory_space<hbm>>
    tpu.wait_dma2 semaphore(%arg11 : memref<!tpu.dma_semaphore, #tpu.memory_space<semaphore_mem>>) src(%arg7 : memref<128x32xf32, #tpu.memory_space<vmem>>) dst(%dma_wait3A_30 : memref<128x32xf32, #tpu.memory_space<hbm>>)
    return
  }
}

module attributes {stable_mosaic.version = 14 : i64} {
  func.func @_combine_body(%arg0: i32, %arg1: memref<1x1x8192xf32, #tpu.memory_space<vmem>>, %arg2: memref<1x8192x128xf32, #tpu.memory_space<vmem>>, %arg3: memref<1x1x8192xf32, #tpu.memory_space<vmem>>, %arg4: memref<1x1x8192xf32, #tpu.memory_space<vmem>>) attributes {dimension_semantics = [#tpu.dimension_semantics<arbitrary>], iteration_bounds = array<i64: 16>, scalar_prefetch = 0 : i64, scratch_operands = 0 : i64, tpu.core_type = #tpu.core_type<tc>, window_params = [{transform_indices = @transform_0, window_bounds = array<i64: 1, 1, 8192>}, {transform_indices = @transform_1, window_bounds = array<i64: 1, 8192, 128>}, {transform_indices = @transform_2, window_bounds = array<i64: 1, 1, 8192>}, {transform_indices = @transform_3, window_bounds = array<i64: 1, 1, 8192>}]} {
    %get3A = arith.constant 0 : index
    %get3A_0 = arith.constant 0 : index
    %get3A_1 = arith.constant 0 : index
    %get3A_2 = vector.load %arg1[%get3A, %get3A_0, %get3A_1] : memref<1x1x8192xf32, #tpu.memory_space<vmem>>, vector<1x1x8192xf32>
    %get3A_3 = vector.shape_cast %get3A_2 : vector<1x1x8192xf32> to vector<8192xf32>
    %mul3A = arith.constant 6.553600e+04 : f32
    %mul3A_4 = vector.broadcast %mul3A : f32 to vector<8192xf32>
    %mul3A_5 = arith.mulf %mul3A_4, %get3A_3 : vector<8192xf32>
    %ceil3A = math.ceil %mul3A_5 : vector<8192xf32>
    %convert_element_type3A = arith.fptosi %ceil3A : vector<8192xf32> to vector<8192xi32>
    %sub3A = arith.constant 4 : i32
    %sub3A_6 = vector.broadcast %sub3A : i32 to vector<8192xi32>
    %sub3A_7 = arith.subi %convert_element_type3A, %sub3A_6 : vector<8192xi32>
    %and3A = arith.constant 7 : i32
    %and3A_8 = vector.broadcast %and3A : i32 to vector<8192xi32>
    %and3A_9 = arith.andi %sub3A_7, %and3A_8 : vector<8192xi32>
    %sub3A_10 = arith.subi %sub3A_7, %and3A_9 : vector<8192xi32>
    %get3A_11 = arith.constant 0 : index
    %get3A_12 = arith.constant 0 : index
    %get3A_13 = arith.constant 0 : index
    %get3A_14 = vector.load %arg2[%get3A_11, %get3A_12, %get3A_13] : memref<1x8192x128xf32, #tpu.memory_space<vmem>>, vector<1x8192x32xf32>
    %get3A_15 = vector.shape_cast %get3A_14 : vector<1x8192x32xf32> to vector<8192x32xf32>
    %transpose3A = tpu.transpose %get3A_15, [1, 0] : vector<8192x32xf32> -> vector<32x8192xf32>
    %broadcast_in_dim3A = arith.constant 0.000000e+00 : f32
    %broadcast_in_dim3A_16 = vector.broadcast %broadcast_in_dim3A : f32 to vector<8192xf32>
    %broadcast_in_dim3A_17 = arith.constant 0.000000e+00 : f32
    %broadcast_in_dim3A_18 = vector.broadcast %broadcast_in_dim3A_17 : f32 to vector<8192xf32>
    %add3A = arith.constant 0 : i32
    %add3A_19 = vector.broadcast %add3A : i32 to vector<8192xi32>
    %add3A_20 = arith.addi %sub3A_10, %add3A_19 : vector<8192xi32>
    %convert_element_type3A_21 = arith.sitofp %add3A_20 : vector<8192xi32> to vector<8192xf32>
    %div3A = arith.constant 6.553600e+04 : f32
    %div3A_22 = vector.broadcast %div3A : f32 to vector<8192xf32>
    %div3A_23 = arith.divf %convert_element_type3A_21, %div3A_22 : vector<8192xf32>
    %sub3A_24 = arith.subf %get3A_3, %div3A_23 : vector<8192xf32>
    %broadcast_in_dim3A_25 = arith.constant 1.500000e+00 : f32
    %broadcast_in_dim3A_26 = vector.broadcast %broadcast_in_dim3A_25 : f32 to vector<8192xf32>
    %mul3A_27 = arith.mulf %sub3A_24, %sub3A_24 : vector<8192xf32>
    %mul3A_28 = arith.constant 4.2949673E+9 : f32
    %mul3A_29 = vector.broadcast %mul3A_28 : f32 to vector<8192xf32>
    %mul3A_30 = arith.mulf %mul3A_29, %mul3A_27 : vector<8192xf32>
    %sub3A_31 = arith.constant 1.600000e+01 : f32
    %sub3A_32 = vector.broadcast %sub3A_31 : f32 to vector<8192xf32>
    %sub3A_33 = arith.subf %sub3A_32, %mul3A_30 : vector<8192xf32>
    %gt3A = arith.constant 0.000000e+00 : f32
    %gt3A_34 = vector.broadcast %gt3A : f32 to vector<8192xf32>
    %gt3A_35 = arith.cmpf ogt, %sub3A_33, %gt3A_34 : vector<8192xf32>
    %jit3A = arith.constant 1.000000e+00 : f32
    %broadcast_in_dim3A_36 = vector.broadcast %jit3A : f32 to vector<8192xf32>
    %select_n3A = arith.select %gt3A_35, %sub3A_33, %broadcast_in_dim3A_36 : vector<8192xi1>, vector<8192xf32>
    %sqrt3A = math.sqrt %select_n3A : vector<8192xf32>
    %mul3A_37 = arith.constant 4.71238899 : f32
    %mul3A_38 = vector.broadcast %mul3A_37 : f32 to vector<8192xf32>
    %mul3A_39 = arith.mulf %mul3A_38, %sqrt3A : vector<8192xf32>
    %exp3A = math.exp %mul3A_39 : vector<8192xf32>
    %neg3A = arith.constant 0.000000e+00 : f32
    %neg3A_40 = vector.broadcast %neg3A : f32 to vector<8192xf32>
    %neg3A_41 = arith.subf %neg3A_40, %mul3A_39 : vector<8192xf32>
    %exp3A_42 = math.exp %neg3A_41 : vector<8192xf32>
    %sub3A_43 = arith.subf %exp3A, %exp3A_42 : vector<8192xf32>
    %mul3A_44 = arith.constant 5.000000e-01 : f32
    %mul3A_45 = vector.broadcast %mul3A_44 : f32 to vector<8192xf32>
    %mul3A_46 = arith.mulf %sub3A_43, %mul3A_45 : vector<8192xf32>
    %mul3A_47 = arith.constant 3.14159274 : f32
    %mul3A_48 = vector.broadcast %mul3A_47 : f32 to vector<8192xf32>
    %mul3A_49 = arith.mulf %sqrt3A, %mul3A_48 : vector<8192xf32>
    %div3A_50 = arith.divf %mul3A_46, %mul3A_49 : vector<8192xf32>
    %abs3A = math.absf %sub3A_24 : vector<8192xf32>
    %lt3A = arith.constant 6.10351563E-5 : f32
    %lt3A_51 = vector.broadcast %lt3A : f32 to vector<8192xf32>
    %lt3A_52 = arith.cmpf olt, %abs3A, %lt3A_51 : vector<8192xf32>
    %select_n3A_53 = arith.select %lt3A_52, %div3A_50, %broadcast_in_dim3A_26 : vector<8192xi1>, vector<8192xf32>
    %gt3A_54 = arith.constant 6.10351563E-5 : f32
    %gt3A_55 = vector.broadcast %gt3A_54 : f32 to vector<8192xf32>
    %gt3A_56 = arith.cmpf ogt, %abs3A, %gt3A_55 : vector<8192xf32>
    %broadcast_in_dim3A_57 = arith.constant 0.000000e+00 : f32
    %broadcast_in_dim3A_58 = vector.broadcast %broadcast_in_dim3A_57 : f32 to vector<8192xf32>
    %select_n3A_59 = arith.select %gt3A_56, %broadcast_in_dim3A_58, %select_n3A_53 : vector<8192xi1>, vector<8192xf32>
    %le3A = arith.constant 0 : i32
    %le3A_60 = vector.broadcast %le3A : i32 to vector<8192xi32>
    %le3A_61 = arith.cmpi sle, %and3A_9, %le3A_60 : vector<8192xi32>
    %add3A_62 = arith.constant 8 : i32
    %add3A_63 = vector.broadcast %add3A_62 : i32 to vector<8192xi32>
    %add3A_64 = arith.addi %and3A_9, %add3A_63 : vector<8192xi32>
    %gt3A_65 = arith.constant 0 : i32
    %gt3A_66 = vector.broadcast %gt3A_65 : i32 to vector<8192xi32>
    %gt3A_67 = arith.cmpi sgt, %add3A_64, %gt3A_66 : vector<8192xi32>
    %and3A_68 = arith.andi %le3A_61, %gt3A_67 : vector<8192xi1>
    %broadcast_in_dim3A_69 = arith.constant 0.000000e+00 : f32
    %broadcast_in_dim3A_70 = vector.broadcast %broadcast_in_dim3A_69 : f32 to vector<8192xf32>
    %select_n3A_71 = arith.select %and3A_68, %select_n3A_59, %broadcast_in_dim3A_70 : vector<8192xi1>, vector<8192xf32>
    %slice3A = vector.extract_strided_slice %transpose3A {offsets = [0, 0], sizes = [1, 8192], strides = [1, 1]} : vector<32x8192xf32> to vector<1x8192xf32>
    %squeeze3A = vector.shape_cast %slice3A : vector<1x8192xf32> to vector<8192xf32>
    %mul3A_72 = arith.mulf %select_n3A_71, %squeeze3A : vector<8192xf32>
    %add3A_73 = arith.addf %broadcast_in_dim3A_16, %mul3A_72 : vector<8192xf32>
    %slice3A_74 = vector.extract_strided_slice %transpose3A {offsets = [16, 0], sizes = [1, 8192], strides = [1, 1]} : vector<32x8192xf32> to vector<1x8192xf32>
    %squeeze3A_75 = vector.shape_cast %slice3A_74 : vector<1x8192xf32> to vector<8192xf32>
    %mul3A_76 = arith.mulf %select_n3A_71, %squeeze3A_75 : vector<8192xf32>
    %add3A_77 = arith.addf %broadcast_in_dim3A_18, %mul3A_76 : vector<8192xf32>
    %add3A_78 = arith.constant 1 : i32
    %add3A_79 = vector.broadcast %add3A_78 : i32 to vector<8192xi32>
    %add3A_80 = arith.addi %sub3A_10, %add3A_79 : vector<8192xi32>
    %convert_element_type3A_81 = arith.sitofp %add3A_80 : vector<8192xi32> to vector<8192xf32>
    %div3A_82 = arith.constant 6.553600e+04 : f32
    %div3A_83 = vector.broadcast %div3A_82 : f32 to vector<8192xf32>
    %div3A_84 = arith.divf %convert_element_type3A_81, %div3A_83 : vector<8192xf32>
    %sub3A_85 = arith.subf %get3A_3, %div3A_84 : vector<8192xf32>
    %broadcast_in_dim3A_86 = arith.constant 1.500000e+00 : f32
    %broadcast_in_dim3A_87 = vector.broadcast %broadcast_in_dim3A_86 : f32 to vector<8192xf32>
    %mul3A_88 = arith.mulf %sub3A_85, %sub3A_85 : vector<8192xf32>
    %mul3A_89 = arith.constant 4.2949673E+9 : f32
    %mul3A_90 = vector.broadcast %mul3A_89 : f32 to vector<8192xf32>
    %mul3A_91 = arith.mulf %mul3A_90, %mul3A_88 : vector<8192xf32>
    %sub3A_92 = arith.constant 1.600000e+01 : f32
    %sub3A_93 = vector.broadcast %sub3A_92 : f32 to vector<8192xf32>
    %sub3A_94 = arith.subf %sub3A_93, %mul3A_91 : vector<8192xf32>
    %gt3A_95 = arith.constant 0.000000e+00 : f32
    %gt3A_96 = vector.broadcast %gt3A_95 : f32 to vector<8192xf32>
    %gt3A_97 = arith.cmpf ogt, %sub3A_94, %gt3A_96 : vector<8192xf32>
    %jit3A_98 = arith.constant 1.000000e+00 : f32
    %broadcast_in_dim3A_99 = vector.broadcast %jit3A_98 : f32 to vector<8192xf32>
    %select_n3A_100 = arith.select %gt3A_97, %sub3A_94, %broadcast_in_dim3A_99 : vector<8192xi1>, vector<8192xf32>
    %sqrt3A_101 = math.sqrt %select_n3A_100 : vector<8192xf32>
    %mul3A_102 = arith.constant 4.71238899 : f32
    %mul3A_103 = vector.broadcast %mul3A_102 : f32 to vector<8192xf32>
    %mul3A_104 = arith.mulf %mul3A_103, %sqrt3A_101 : vector<8192xf32>
    %exp3A_105 = math.exp %mul3A_104 : vector<8192xf32>
    %neg3A_106 = arith.constant 0.000000e+00 : f32
    %neg3A_107 = vector.broadcast %neg3A_106 : f32 to vector<8192xf32>
    %neg3A_108 = arith.subf %neg3A_107, %mul3A_104 : vector<8192xf32>
    %exp3A_109 = math.exp %neg3A_108 : vector<8192xf32>
    %sub3A_110 = arith.subf %exp3A_105, %exp3A_109 : vector<8192xf32>
    %mul3A_111 = arith.constant 5.000000e-01 : f32
    %mul3A_112 = vector.broadcast %mul3A_111 : f32 to vector<8192xf32>
    %mul3A_113 = arith.mulf %sub3A_110, %mul3A_112 : vector<8192xf32>
    %mul3A_114 = arith.constant 3.14159274 : f32
    %mul3A_115 = vector.broadcast %mul3A_114 : f32 to vector<8192xf32>
    %mul3A_116 = arith.mulf %sqrt3A_101, %mul3A_115 : vector<8192xf32>
    %div3A_117 = arith.divf %mul3A_113, %mul3A_116 : vector<8192xf32>
    %abs3A_118 = math.absf %sub3A_85 : vector<8192xf32>
    %lt3A_119 = arith.constant 6.10351563E-5 : f32
    %lt3A_120 = vector.broadcast %lt3A_119 : f32 to vector<8192xf32>
    %lt3A_121 = arith.cmpf olt, %abs3A_118, %lt3A_120 : vector<8192xf32>
    %select_n3A_122 = arith.select %lt3A_121, %div3A_117, %broadcast_in_dim3A_87 : vector<8192xi1>, vector<8192xf32>
    %gt3A_123 = arith.constant 6.10351563E-5 : f32
    %gt3A_124 = vector.broadcast %gt3A_123 : f32 to vector<8192xf32>
    %gt3A_125 = arith.cmpf ogt, %abs3A_118, %gt3A_124 : vector<8192xf32>
    %broadcast_in_dim3A_126 = arith.constant 0.000000e+00 : f32
    %broadcast_in_dim3A_127 = vector.broadcast %broadcast_in_dim3A_126 : f32 to vector<8192xf32>
    %select_n3A_128 = arith.select %gt3A_125, %broadcast_in_dim3A_127, %select_n3A_122 : vector<8192xi1>, vector<8192xf32>
    %le3A_129 = arith.constant 1 : i32
    %le3A_130 = vector.broadcast %le3A_129 : i32 to vector<8192xi32>
    %le3A_131 = arith.cmpi sle, %and3A_9, %le3A_130 : vector<8192xi32>
    %add3A_132 = arith.constant 8 : i32
    %add3A_133 = vector.broadcast %add3A_132 : i32 to vector<8192xi32>
    %add3A_134 = arith.addi %and3A_9, %add3A_133 : vector<8192xi32>
    %gt3A_135 = arith.constant 1 : i32
    %gt3A_136 = vector.broadcast %gt3A_135 : i32 to vector<8192xi32>
    %gt3A_137 = arith.cmpi sgt, %add3A_134, %gt3A_136 : vector<8192xi32>
    %and3A_138 = arith.andi %le3A_131, %gt3A_137 : vector<8192xi1>
    %broadcast_in_dim3A_139 = arith.constant 0.000000e+00 : f32
    %broadcast_in_dim3A_140 = vector.broadcast %broadcast_in_dim3A_139 : f32 to vector<8192xf32>
    %select_n3A_141 = arith.select %and3A_138, %select_n3A_128, %broadcast_in_dim3A_140 : vector<8192xi1>, vector<8192xf32>
    %slice3A_142 = vector.extract_strided_slice %transpose3A {offsets = [1, 0], sizes = [1, 8192], strides = [1, 1]} : vector<32x8192xf32> to vector<1x8192xf32>
    %squeeze3A_143 = vector.shape_cast %slice3A_142 : vector<1x8192xf32> to vector<8192xf32>
    %mul3A_144 = arith.mulf %select_n3A_141, %squeeze3A_143 : vector<8192xf32>
    %add3A_145 = arith.addf %add3A_73, %mul3A_144 : vector<8192xf32>
    %slice3A_146 = vector.extract_strided_slice %transpose3A {offsets = [17, 0], sizes = [1, 8192], strides = [1, 1]} : vector<32x8192xf32> to vector<1x8192xf32>
    %squeeze3A_147 = vector.shape_cast %slice3A_146 : vector<1x8192xf32> to vector<8192xf32>
    %mul3A_148 = arith.mulf %select_n3A_141, %squeeze3A_147 : vector<8192xf32>
    %add3A_149 = arith.addf %add3A_77, %mul3A_148 : vector<8192xf32>
    %add3A_150 = arith.constant 2 : i32
    %add3A_151 = vector.broadcast %add3A_150 : i32 to vector<8192xi32>
    %add3A_152 = arith.addi %sub3A_10, %add3A_151 : vector<8192xi32>
    %convert_element_type3A_153 = arith.sitofp %add3A_152 : vector<8192xi32> to vector<8192xf32>
    %div3A_154 = arith.constant 6.553600e+04 : f32
    %div3A_155 = vector.broadcast %div3A_154 : f32 to vector<8192xf32>
    %div3A_156 = arith.divf %convert_element_type3A_153, %div3A_155 : vector<8192xf32>
    %sub3A_157 = arith.subf %get3A_3, %div3A_156 : vector<8192xf32>
    %broadcast_in_dim3A_158 = arith.constant 1.500000e+00 : f32
    %broadcast_in_dim3A_159 = vector.broadcast %broadcast_in_dim3A_158 : f32 to vector<8192xf32>
    %mul3A_160 = arith.mulf %sub3A_157, %sub3A_157 : vector<8192xf32>
    %mul3A_161 = arith.constant 4.2949673E+9 : f32
    %mul3A_162 = vector.broadcast %mul3A_161 : f32 to vector<8192xf32>
    %mul3A_163 = arith.mulf %mul3A_162, %mul3A_160 : vector<8192xf32>
    %sub3A_164 = arith.constant 1.600000e+01 : f32
    %sub3A_165 = vector.broadcast %sub3A_164 : f32 to vector<8192xf32>
    %sub3A_166 = arith.subf %sub3A_165, %mul3A_163 : vector<8192xf32>
    %gt3A_167 = arith.constant 0.000000e+00 : f32
    %gt3A_168 = vector.broadcast %gt3A_167 : f32 to vector<8192xf32>
    %gt3A_169 = arith.cmpf ogt, %sub3A_166, %gt3A_168 : vector<8192xf32>
    %jit3A_170 = arith.constant 1.000000e+00 : f32
    %broadcast_in_dim3A_171 = vector.broadcast %jit3A_170 : f32 to vector<8192xf32>
    %select_n3A_172 = arith.select %gt3A_169, %sub3A_166, %broadcast_in_dim3A_171 : vector<8192xi1>, vector<8192xf32>
    %sqrt3A_173 = math.sqrt %select_n3A_172 : vector<8192xf32>
    %mul3A_174 = arith.constant 4.71238899 : f32
    %mul3A_175 = vector.broadcast %mul3A_174 : f32 to vector<8192xf32>
    %mul3A_176 = arith.mulf %mul3A_175, %sqrt3A_173 : vector<8192xf32>
    %exp3A_177 = math.exp %mul3A_176 : vector<8192xf32>
    %neg3A_178 = arith.constant 0.000000e+00 : f32
    %neg3A_179 = vector.broadcast %neg3A_178 : f32 to vector<8192xf32>
    %neg3A_180 = arith.subf %neg3A_179, %mul3A_176 : vector<8192xf32>
    %exp3A_181 = math.exp %neg3A_180 : vector<8192xf32>
    %sub3A_182 = arith.subf %exp3A_177, %exp3A_181 : vector<8192xf32>
    %mul3A_183 = arith.constant 5.000000e-01 : f32
    %mul3A_184 = vector.broadcast %mul3A_183 : f32 to vector<8192xf32>
    %mul3A_185 = arith.mulf %sub3A_182, %mul3A_184 : vector<8192xf32>
    %mul3A_186 = arith.constant 3.14159274 : f32
    %mul3A_187 = vector.broadcast %mul3A_186 : f32 to vector<8192xf32>
    %mul3A_188 = arith.mulf %sqrt3A_173, %mul3A_187 : vector<8192xf32>
    %div3A_189 = arith.divf %mul3A_185, %mul3A_188 : vector<8192xf32>
    %abs3A_190 = math.absf %sub3A_157 : vector<8192xf32>
    %lt3A_191 = arith.constant 6.10351563E-5 : f32
    %lt3A_192 = vector.broadcast %lt3A_191 : f32 to vector<8192xf32>
    %lt3A_193 = arith.cmpf olt, %abs3A_190, %lt3A_192 : vector<8192xf32>
    %select_n3A_194 = arith.select %lt3A_193, %div3A_189, %broadcast_in_dim3A_159 : vector<8192xi1>, vector<8192xf32>
    %gt3A_195 = arith.constant 6.10351563E-5 : f32
    %gt3A_196 = vector.broadcast %gt3A_195 : f32 to vector<8192xf32>
    %gt3A_197 = arith.cmpf ogt, %abs3A_190, %gt3A_196 : vector<8192xf32>
    %broadcast_in_dim3A_198 = arith.constant 0.000000e+00 : f32
    %broadcast_in_dim3A_199 = vector.broadcast %broadcast_in_dim3A_198 : f32 to vector<8192xf32>
    %select_n3A_200 = arith.select %gt3A_197, %broadcast_in_dim3A_199, %select_n3A_194 : vector<8192xi1>, vector<8192xf32>
    %le3A_201 = arith.constant 2 : i32
    %le3A_202 = vector.broadcast %le3A_201 : i32 to vector<8192xi32>
    %le3A_203 = arith.cmpi sle, %and3A_9, %le3A_202 : vector<8192xi32>
    %add3A_204 = arith.constant 8 : i32
    %add3A_205 = vector.broadcast %add3A_204 : i32 to vector<8192xi32>
    %add3A_206 = arith.addi %and3A_9, %add3A_205 : vector<8192xi32>
    %gt3A_207 = arith.constant 2 : i32
    %gt3A_208 = vector.broadcast %gt3A_207 : i32 to vector<8192xi32>
    %gt3A_209 = arith.cmpi sgt, %add3A_206, %gt3A_208 : vector<8192xi32>
    %and3A_210 = arith.andi %le3A_203, %gt3A_209 : vector<8192xi1>
    %broadcast_in_dim3A_211 = arith.constant 0.000000e+00 : f32
    %broadcast_in_dim3A_212 = vector.broadcast %broadcast_in_dim3A_211 : f32 to vector<8192xf32>
    %select_n3A_213 = arith.select %and3A_210, %select_n3A_200, %broadcast_in_dim3A_212 : vector<8192xi1>, vector<8192xf32>
    %slice3A_214 = vector.extract_strided_slice %transpose3A {offsets = [2, 0], sizes = [1, 8192], strides = [1, 1]} : vector<32x8192xf32> to vector<1x8192xf32>
    %squeeze3A_215 = vector.shape_cast %slice3A_214 : vector<1x8192xf32> to vector<8192xf32>
    %mul3A_216 = arith.mulf %select_n3A_213, %squeeze3A_215 : vector<8192xf32>
    %add3A_217 = arith.addf %add3A_145, %mul3A_216 : vector<8192xf32>
    %slice3A_218 = vector.extract_strided_slice %transpose3A {offsets = [18, 0], sizes = [1, 8192], strides = [1, 1]} : vector<32x8192xf32> to vector<1x8192xf32>
    %squeeze3A_219 = vector.shape_cast %slice3A_218 : vector<1x8192xf32> to vector<8192xf32>
    %mul3A_220 = arith.mulf %select_n3A_213, %squeeze3A_219 : vector<8192xf32>
    %add3A_221 = arith.addf %add3A_149, %mul3A_220 : vector<8192xf32>
    %add3A_222 = arith.constant 3 : i32
    %add3A_223 = vector.broadcast %add3A_222 : i32 to vector<8192xi32>
    %add3A_224 = arith.addi %sub3A_10, %add3A_223 : vector<8192xi32>
    %convert_element_type3A_225 = arith.sitofp %add3A_224 : vector<8192xi32> to vector<8192xf32>
    %div3A_226 = arith.constant 6.553600e+04 : f32
    %div3A_227 = vector.broadcast %div3A_226 : f32 to vector<8192xf32>
    %div3A_228 = arith.divf %convert_element_type3A_225, %div3A_227 : vector<8192xf32>
    %sub3A_229 = arith.subf %get3A_3, %div3A_228 : vector<8192xf32>
    %broadcast_in_dim3A_230 = arith.constant 1.500000e+00 : f32
    %broadcast_in_dim3A_231 = vector.broadcast %broadcast_in_dim3A_230 : f32 to vector<8192xf32>
    %mul3A_232 = arith.mulf %sub3A_229, %sub3A_229 : vector<8192xf32>
    %mul3A_233 = arith.constant 4.2949673E+9 : f32
    %mul3A_234 = vector.broadcast %mul3A_233 : f32 to vector<8192xf32>
    %mul3A_235 = arith.mulf %mul3A_234, %mul3A_232 : vector<8192xf32>
    %sub3A_236 = arith.constant 1.600000e+01 : f32
    %sub3A_237 = vector.broadcast %sub3A_236 : f32 to vector<8192xf32>
    %sub3A_238 = arith.subf %sub3A_237, %mul3A_235 : vector<8192xf32>
    %gt3A_239 = arith.constant 0.000000e+00 : f32
    %gt3A_240 = vector.broadcast %gt3A_239 : f32 to vector<8192xf32>
    %gt3A_241 = arith.cmpf ogt, %sub3A_238, %gt3A_240 : vector<8192xf32>
    %jit3A_242 = arith.constant 1.000000e+00 : f32
    %broadcast_in_dim3A_243 = vector.broadcast %jit3A_242 : f32 to vector<8192xf32>
    %select_n3A_244 = arith.select %gt3A_241, %sub3A_238, %broadcast_in_dim3A_243 : vector<8192xi1>, vector<8192xf32>
    %sqrt3A_245 = math.sqrt %select_n3A_244 : vector<8192xf32>
    %mul3A_246 = arith.constant 4.71238899 : f32
    %mul3A_247 = vector.broadcast %mul3A_246 : f32 to vector<8192xf32>
    %mul3A_248 = arith.mulf %mul3A_247, %sqrt3A_245 : vector<8192xf32>
    %exp3A_249 = math.exp %mul3A_248 : vector<8192xf32>
    %neg3A_250 = arith.constant 0.000000e+00 : f32
    %neg3A_251 = vector.broadcast %neg3A_250 : f32 to vector<8192xf32>
    %neg3A_252 = arith.subf %neg3A_251, %mul3A_248 : vector<8192xf32>
    %exp3A_253 = math.exp %neg3A_252 : vector<8192xf32>
    %sub3A_254 = arith.subf %exp3A_249, %exp3A_253 : vector<8192xf32>
    %mul3A_255 = arith.constant 5.000000e-01 : f32
    %mul3A_256 = vector.broadcast %mul3A_255 : f32 to vector<8192xf32>
    %mul3A_257 = arith.mulf %sub3A_254, %mul3A_256 : vector<8192xf32>
    %mul3A_258 = arith.constant 3.14159274 : f32
    %mul3A_259 = vector.broadcast %mul3A_258 : f32 to vector<8192xf32>
    %mul3A_260 = arith.mulf %sqrt3A_245, %mul3A_259 : vector<8192xf32>
    %div3A_261 = arith.divf %mul3A_257, %mul3A_260 : vector<8192xf32>
    %abs3A_262 = math.absf %sub3A_229 : vector<8192xf32>
    %lt3A_263 = arith.constant 6.10351563E-5 : f32
    %lt3A_264 = vector.broadcast %lt3A_263 : f32 to vector<8192xf32>
    %lt3A_265 = arith.cmpf olt, %abs3A_262, %lt3A_264 : vector<8192xf32>
    %select_n3A_266 = arith.select %lt3A_265, %div3A_261, %broadcast_in_dim3A_231 : vector<8192xi1>, vector<8192xf32>
    %gt3A_267 = arith.constant 6.10351563E-5 : f32
    %gt3A_268 = vector.broadcast %gt3A_267 : f32 to vector<8192xf32>
    %gt3A_269 = arith.cmpf ogt, %abs3A_262, %gt3A_268 : vector<8192xf32>
    %broadcast_in_dim3A_270 = arith.constant 0.000000e+00 : f32
    %broadcast_in_dim3A_271 = vector.broadcast %broadcast_in_dim3A_270 : f32 to vector<8192xf32>
    %select_n3A_272 = arith.select %gt3A_269, %broadcast_in_dim3A_271, %select_n3A_266 : vector<8192xi1>, vector<8192xf32>
    %le3A_273 = arith.constant 3 : i32
    %le3A_274 = vector.broadcast %le3A_273 : i32 to vector<8192xi32>
    %le3A_275 = arith.cmpi sle, %and3A_9, %le3A_274 : vector<8192xi32>
    %add3A_276 = arith.constant 8 : i32
    %add3A_277 = vector.broadcast %add3A_276 : i32 to vector<8192xi32>
    %add3A_278 = arith.addi %and3A_9, %add3A_277 : vector<8192xi32>
    %gt3A_279 = arith.constant 3 : i32
    %gt3A_280 = vector.broadcast %gt3A_279 : i32 to vector<8192xi32>
    %gt3A_281 = arith.cmpi sgt, %add3A_278, %gt3A_280 : vector<8192xi32>
    %and3A_282 = arith.andi %le3A_275, %gt3A_281 : vector<8192xi1>
    %broadcast_in_dim3A_283 = arith.constant 0.000000e+00 : f32
    %broadcast_in_dim3A_284 = vector.broadcast %broadcast_in_dim3A_283 : f32 to vector<8192xf32>
    %select_n3A_285 = arith.select %and3A_282, %select_n3A_272, %broadcast_in_dim3A_284 : vector<8192xi1>, vector<8192xf32>
    %slice3A_286 = vector.extract_strided_slice %transpose3A {offsets = [3, 0], sizes = [1, 8192], strides = [1, 1]} : vector<32x8192xf32> to vector<1x8192xf32>
    %squeeze3A_287 = vector.shape_cast %slice3A_286 : vector<1x8192xf32> to vector<8192xf32>
    %mul3A_288 = arith.mulf %select_n3A_285, %squeeze3A_287 : vector<8192xf32>
    %add3A_289 = arith.addf %add3A_217, %mul3A_288 : vector<8192xf32>
    %slice3A_290 = vector.extract_strided_slice %transpose3A {offsets = [19, 0], sizes = [1, 8192], strides = [1, 1]} : vector<32x8192xf32> to vector<1x8192xf32>
    %squeeze3A_291 = vector.shape_cast %slice3A_290 : vector<1x8192xf32> to vector<8192xf32>
    %mul3A_292 = arith.mulf %select_n3A_285, %squeeze3A_291 : vector<8192xf32>
    %add3A_293 = arith.addf %add3A_221, %mul3A_292 : vector<8192xf32>
    %add3A_294 = arith.constant 4 : i32
    %add3A_295 = vector.broadcast %add3A_294 : i32 to vector<8192xi32>
    %add3A_296 = arith.addi %sub3A_10, %add3A_295 : vector<8192xi32>
    %convert_element_type3A_297 = arith.sitofp %add3A_296 : vector<8192xi32> to vector<8192xf32>
    %div3A_298 = arith.constant 6.553600e+04 : f32
    %div3A_299 = vector.broadcast %div3A_298 : f32 to vector<8192xf32>
    %div3A_300 = arith.divf %convert_element_type3A_297, %div3A_299 : vector<8192xf32>
    %sub3A_301 = arith.subf %get3A_3, %div3A_300 : vector<8192xf32>
    %broadcast_in_dim3A_302 = arith.constant 1.500000e+00 : f32
    %broadcast_in_dim3A_303 = vector.broadcast %broadcast_in_dim3A_302 : f32 to vector<8192xf32>
    %mul3A_304 = arith.mulf %sub3A_301, %sub3A_301 : vector<8192xf32>
    %mul3A_305 = arith.constant 4.2949673E+9 : f32
    %mul3A_306 = vector.broadcast %mul3A_305 : f32 to vector<8192xf32>
    %mul3A_307 = arith.mulf %mul3A_306, %mul3A_304 : vector<8192xf32>
    %sub3A_308 = arith.constant 1.600000e+01 : f32
    %sub3A_309 = vector.broadcast %sub3A_308 : f32 to vector<8192xf32>
    %sub3A_310 = arith.subf %sub3A_309, %mul3A_307 : vector<8192xf32>
    %gt3A_311 = arith.constant 0.000000e+00 : f32
    %gt3A_312 = vector.broadcast %gt3A_311 : f32 to vector<8192xf32>
    %gt3A_313 = arith.cmpf ogt, %sub3A_310, %gt3A_312 : vector<8192xf32>
    %jit3A_314 = arith.constant 1.000000e+00 : f32
    %broadcast_in_dim3A_315 = vector.broadcast %jit3A_314 : f32 to vector<8192xf32>
    %select_n3A_316 = arith.select %gt3A_313, %sub3A_310, %broadcast_in_dim3A_315 : vector<8192xi1>, vector<8192xf32>
    %sqrt3A_317 = math.sqrt %select_n3A_316 : vector<8192xf32>
    %mul3A_318 = arith.constant 4.71238899 : f32
    %mul3A_319 = vector.broadcast %mul3A_318 : f32 to vector<8192xf32>
    %mul3A_320 = arith.mulf %mul3A_319, %sqrt3A_317 : vector<8192xf32>
    %exp3A_321 = math.exp %mul3A_320 : vector<8192xf32>
    %neg3A_322 = arith.constant 0.000000e+00 : f32
    %neg3A_323 = vector.broadcast %neg3A_322 : f32 to vector<8192xf32>
    %neg3A_324 = arith.subf %neg3A_323, %mul3A_320 : vector<8192xf32>
    %exp3A_325 = math.exp %neg3A_324 : vector<8192xf32>
    %sub3A_326 = arith.subf %exp3A_321, %exp3A_325 : vector<8192xf32>
    %mul3A_327 = arith.constant 5.000000e-01 : f32
    %mul3A_328 = vector.broadcast %mul3A_327 : f32 to vector<8192xf32>
    %mul3A_329 = arith.mulf %sub3A_326, %mul3A_328 : vector<8192xf32>
    %mul3A_330 = arith.constant 3.14159274 : f32
    %mul3A_331 = vector.broadcast %mul3A_330 : f32 to vector<8192xf32>
    %mul3A_332 = arith.mulf %sqrt3A_317, %mul3A_331 : vector<8192xf32>
    %div3A_333 = arith.divf %mul3A_329, %mul3A_332 : vector<8192xf32>
    %abs3A_334 = math.absf %sub3A_301 : vector<8192xf32>
    %lt3A_335 = arith.constant 6.10351563E-5 : f32
    %lt3A_336 = vector.broadcast %lt3A_335 : f32 to vector<8192xf32>
    %lt3A_337 = arith.cmpf olt, %abs3A_334, %lt3A_336 : vector<8192xf32>
    %select_n3A_338 = arith.select %lt3A_337, %div3A_333, %broadcast_in_dim3A_303 : vector<8192xi1>, vector<8192xf32>
    %gt3A_339 = arith.constant 6.10351563E-5 : f32
    %gt3A_340 = vector.broadcast %gt3A_339 : f32 to vector<8192xf32>
    %gt3A_341 = arith.cmpf ogt, %abs3A_334, %gt3A_340 : vector<8192xf32>
    %broadcast_in_dim3A_342 = arith.constant 0.000000e+00 : f32
    %broadcast_in_dim3A_343 = vector.broadcast %broadcast_in_dim3A_342 : f32 to vector<8192xf32>
    %select_n3A_344 = arith.select %gt3A_341, %broadcast_in_dim3A_343, %select_n3A_338 : vector<8192xi1>, vector<8192xf32>
    %le3A_345 = arith.constant 4 : i32
    %le3A_346 = vector.broadcast %le3A_345 : i32 to vector<8192xi32>
    %le3A_347 = arith.cmpi sle, %and3A_9, %le3A_346 : vector<8192xi32>
    %add3A_348 = arith.constant 8 : i32
    %add3A_349 = vector.broadcast %add3A_348 : i32 to vector<8192xi32>
    %add3A_350 = arith.addi %and3A_9, %add3A_349 : vector<8192xi32>
    %gt3A_351 = arith.constant 4 : i32
    %gt3A_352 = vector.broadcast %gt3A_351 : i32 to vector<8192xi32>
    %gt3A_353 = arith.cmpi sgt, %add3A_350, %gt3A_352 : vector<8192xi32>
    %and3A_354 = arith.andi %le3A_347, %gt3A_353 : vector<8192xi1>
    %broadcast_in_dim3A_355 = arith.constant 0.000000e+00 : f32
    %broadcast_in_dim3A_356 = vector.broadcast %broadcast_in_dim3A_355 : f32 to vector<8192xf32>
    %select_n3A_357 = arith.select %and3A_354, %select_n3A_344, %broadcast_in_dim3A_356 : vector<8192xi1>, vector<8192xf32>
    %slice3A_358 = vector.extract_strided_slice %transpose3A {offsets = [4, 0], sizes = [1, 8192], strides = [1, 1]} : vector<32x8192xf32> to vector<1x8192xf32>
    %squeeze3A_359 = vector.shape_cast %slice3A_358 : vector<1x8192xf32> to vector<8192xf32>
    %mul3A_360 = arith.mulf %select_n3A_357, %squeeze3A_359 : vector<8192xf32>
    %add3A_361 = arith.addf %add3A_289, %mul3A_360 : vector<8192xf32>
    %slice3A_362 = vector.extract_strided_slice %transpose3A {offsets = [20, 0], sizes = [1, 8192], strides = [1, 1]} : vector<32x8192xf32> to vector<1x8192xf32>
    %squeeze3A_363 = vector.shape_cast %slice3A_362 : vector<1x8192xf32> to vector<8192xf32>
    %mul3A_364 = arith.mulf %select_n3A_357, %squeeze3A_363 : vector<8192xf32>
    %add3A_365 = arith.addf %add3A_293, %mul3A_364 : vector<8192xf32>
    %add3A_366 = arith.constant 5 : i32
    %add3A_367 = vector.broadcast %add3A_366 : i32 to vector<8192xi32>
    %add3A_368 = arith.addi %sub3A_10, %add3A_367 : vector<8192xi32>
    %convert_element_type3A_369 = arith.sitofp %add3A_368 : vector<8192xi32> to vector<8192xf32>
    %div3A_370 = arith.constant 6.553600e+04 : f32
    %div3A_371 = vector.broadcast %div3A_370 : f32 to vector<8192xf32>
    %div3A_372 = arith.divf %convert_element_type3A_369, %div3A_371 : vector<8192xf32>
    %sub3A_373 = arith.subf %get3A_3, %div3A_372 : vector<8192xf32>
    %broadcast_in_dim3A_374 = arith.constant 1.500000e+00 : f32
    %broadcast_in_dim3A_375 = vector.broadcast %broadcast_in_dim3A_374 : f32 to vector<8192xf32>
    %mul3A_376 = arith.mulf %sub3A_373, %sub3A_373 : vector<8192xf32>
    %mul3A_377 = arith.constant 4.2949673E+9 : f32
    %mul3A_378 = vector.broadcast %mul3A_377 : f32 to vector<8192xf32>
    %mul3A_379 = arith.mulf %mul3A_378, %mul3A_376 : vector<8192xf32>
    %sub3A_380 = arith.constant 1.600000e+01 : f32
    %sub3A_381 = vector.broadcast %sub3A_380 : f32 to vector<8192xf32>
    %sub3A_382 = arith.subf %sub3A_381, %mul3A_379 : vector<8192xf32>
    %gt3A_383 = arith.constant 0.000000e+00 : f32
    %gt3A_384 = vector.broadcast %gt3A_383 : f32 to vector<8192xf32>
    %gt3A_385 = arith.cmpf ogt, %sub3A_382, %gt3A_384 : vector<8192xf32>
    %jit3A_386 = arith.constant 1.000000e+00 : f32
    %broadcast_in_dim3A_387 = vector.broadcast %jit3A_386 : f32 to vector<8192xf32>
    %select_n3A_388 = arith.select %gt3A_385, %sub3A_382, %broadcast_in_dim3A_387 : vector<8192xi1>, vector<8192xf32>
    %sqrt3A_389 = math.sqrt %select_n3A_388 : vector<8192xf32>
    %mul3A_390 = arith.constant 4.71238899 : f32
    %mul3A_391 = vector.broadcast %mul3A_390 : f32 to vector<8192xf32>
    %mul3A_392 = arith.mulf %mul3A_391, %sqrt3A_389 : vector<8192xf32>
    %exp3A_393 = math.exp %mul3A_392 : vector<8192xf32>
    %neg3A_394 = arith.constant 0.000000e+00 : f32
    %neg3A_395 = vector.broadcast %neg3A_394 : f32 to vector<8192xf32>
    %neg3A_396 = arith.subf %neg3A_395, %mul3A_392 : vector<8192xf32>
    %exp3A_397 = math.exp %neg3A_396 : vector<8192xf32>
    %sub3A_398 = arith.subf %exp3A_393, %exp3A_397 : vector<8192xf32>
    %mul3A_399 = arith.constant 5.000000e-01 : f32
    %mul3A_400 = vector.broadcast %mul3A_399 : f32 to vector<8192xf32>
    %mul3A_401 = arith.mulf %sub3A_398, %mul3A_400 : vector<8192xf32>
    %mul3A_402 = arith.constant 3.14159274 : f32
    %mul3A_403 = vector.broadcast %mul3A_402 : f32 to vector<8192xf32>
    %mul3A_404 = arith.mulf %sqrt3A_389, %mul3A_403 : vector<8192xf32>
    %div3A_405 = arith.divf %mul3A_401, %mul3A_404 : vector<8192xf32>
    %abs3A_406 = math.absf %sub3A_373 : vector<8192xf32>
    %lt3A_407 = arith.constant 6.10351563E-5 : f32
    %lt3A_408 = vector.broadcast %lt3A_407 : f32 to vector<8192xf32>
    %lt3A_409 = arith.cmpf olt, %abs3A_406, %lt3A_408 : vector<8192xf32>
    %select_n3A_410 = arith.select %lt3A_409, %div3A_405, %broadcast_in_dim3A_375 : vector<8192xi1>, vector<8192xf32>
    %gt3A_411 = arith.constant 6.10351563E-5 : f32
    %gt3A_412 = vector.broadcast %gt3A_411 : f32 to vector<8192xf32>
    %gt3A_413 = arith.cmpf ogt, %abs3A_406, %gt3A_412 : vector<8192xf32>
    %broadcast_in_dim3A_414 = arith.constant 0.000000e+00 : f32
    %broadcast_in_dim3A_415 = vector.broadcast %broadcast_in_dim3A_414 : f32 to vector<8192xf32>
    %select_n3A_416 = arith.select %gt3A_413, %broadcast_in_dim3A_415, %select_n3A_410 : vector<8192xi1>, vector<8192xf32>
    %le3A_417 = arith.constant 5 : i32
    %le3A_418 = vector.broadcast %le3A_417 : i32 to vector<8192xi32>
    %le3A_419 = arith.cmpi sle, %and3A_9, %le3A_418 : vector<8192xi32>
    %add3A_420 = arith.constant 8 : i32
    %add3A_421 = vector.broadcast %add3A_420 : i32 to vector<8192xi32>
    %add3A_422 = arith.addi %and3A_9, %add3A_421 : vector<8192xi32>
    %gt3A_423 = arith.constant 5 : i32
    %gt3A_424 = vector.broadcast %gt3A_423 : i32 to vector<8192xi32>
    %gt3A_425 = arith.cmpi sgt, %add3A_422, %gt3A_424 : vector<8192xi32>
    %and3A_426 = arith.andi %le3A_419, %gt3A_425 : vector<8192xi1>
    %broadcast_in_dim3A_427 = arith.constant 0.000000e+00 : f32
    %broadcast_in_dim3A_428 = vector.broadcast %broadcast_in_dim3A_427 : f32 to vector<8192xf32>
    %select_n3A_429 = arith.select %and3A_426, %select_n3A_416, %broadcast_in_dim3A_428 : vector<8192xi1>, vector<8192xf32>
    %slice3A_430 = vector.extract_strided_slice %transpose3A {offsets = [5, 0], sizes = [1, 8192], strides = [1, 1]} : vector<32x8192xf32> to vector<1x8192xf32>
    %squeeze3A_431 = vector.shape_cast %slice3A_430 : vector<1x8192xf32> to vector<8192xf32>
    %mul3A_432 = arith.mulf %select_n3A_429, %squeeze3A_431 : vector<8192xf32>
    %add3A_433 = arith.addf %add3A_361, %mul3A_432 : vector<8192xf32>
    %slice3A_434 = vector.extract_strided_slice %transpose3A {offsets = [21, 0], sizes = [1, 8192], strides = [1, 1]} : vector<32x8192xf32> to vector<1x8192xf32>
    %squeeze3A_435 = vector.shape_cast %slice3A_434 : vector<1x8192xf32> to vector<8192xf32>
    %mul3A_436 = arith.mulf %select_n3A_429, %squeeze3A_435 : vector<8192xf32>
    %add3A_437 = arith.addf %add3A_365, %mul3A_436 : vector<8192xf32>
    %add3A_438 = arith.constant 6 : i32
    %add3A_439 = vector.broadcast %add3A_438 : i32 to vector<8192xi32>
    %add3A_440 = arith.addi %sub3A_10, %add3A_439 : vector<8192xi32>
    %convert_element_type3A_441 = arith.sitofp %add3A_440 : vector<8192xi32> to vector<8192xf32>
    %div3A_442 = arith.constant 6.553600e+04 : f32
    %div3A_443 = vector.broadcast %div3A_442 : f32 to vector<8192xf32>
    %div3A_444 = arith.divf %convert_element_type3A_441, %div3A_443 : vector<8192xf32>
    %sub3A_445 = arith.subf %get3A_3, %div3A_444 : vector<8192xf32>
    %broadcast_in_dim3A_446 = arith.constant 1.500000e+00 : f32
    %broadcast_in_dim3A_447 = vector.broadcast %broadcast_in_dim3A_446 : f32 to vector<8192xf32>
    %mul3A_448 = arith.mulf %sub3A_445, %sub3A_445 : vector<8192xf32>
    %mul3A_449 = arith.constant 4.2949673E+9 : f32
    %mul3A_450 = vector.broadcast %mul3A_449 : f32 to vector<8192xf32>
    %mul3A_451 = arith.mulf %mul3A_450, %mul3A_448 : vector<8192xf32>
    %sub3A_452 = arith.constant 1.600000e+01 : f32
    %sub3A_453 = vector.broadcast %sub3A_452 : f32 to vector<8192xf32>
    %sub3A_454 = arith.subf %sub3A_453, %mul3A_451 : vector<8192xf32>
    %gt3A_455 = arith.constant 0.000000e+00 : f32
    %gt3A_456 = vector.broadcast %gt3A_455 : f32 to vector<8192xf32>
    %gt3A_457 = arith.cmpf ogt, %sub3A_454, %gt3A_456 : vector<8192xf32>
    %jit3A_458 = arith.constant 1.000000e+00 : f32
    %broadcast_in_dim3A_459 = vector.broadcast %jit3A_458 : f32 to vector<8192xf32>
    %select_n3A_460 = arith.select %gt3A_457, %sub3A_454, %broadcast_in_dim3A_459 : vector<8192xi1>, vector<8192xf32>
    %sqrt3A_461 = math.sqrt %select_n3A_460 : vector<8192xf32>
    %mul3A_462 = arith.constant 4.71238899 : f32
    %mul3A_463 = vector.broadcast %mul3A_462 : f32 to vector<8192xf32>
    %mul3A_464 = arith.mulf %mul3A_463, %sqrt3A_461 : vector<8192xf32>
    %exp3A_465 = math.exp %mul3A_464 : vector<8192xf32>
    %neg3A_466 = arith.constant 0.000000e+00 : f32
    %neg3A_467 = vector.broadcast %neg3A_466 : f32 to vector<8192xf32>
    %neg3A_468 = arith.subf %neg3A_467, %mul3A_464 : vector<8192xf32>
    %exp3A_469 = math.exp %neg3A_468 : vector<8192xf32>
    %sub3A_470 = arith.subf %exp3A_465, %exp3A_469 : vector<8192xf32>
    %mul3A_471 = arith.constant 5.000000e-01 : f32
    %mul3A_472 = vector.broadcast %mul3A_471 : f32 to vector<8192xf32>
    %mul3A_473 = arith.mulf %sub3A_470, %mul3A_472 : vector<8192xf32>
    %mul3A_474 = arith.constant 3.14159274 : f32
    %mul3A_475 = vector.broadcast %mul3A_474 : f32 to vector<8192xf32>
    %mul3A_476 = arith.mulf %sqrt3A_461, %mul3A_475 : vector<8192xf32>
    %div3A_477 = arith.divf %mul3A_473, %mul3A_476 : vector<8192xf32>
    %abs3A_478 = math.absf %sub3A_445 : vector<8192xf32>
    %lt3A_479 = arith.constant 6.10351563E-5 : f32
    %lt3A_480 = vector.broadcast %lt3A_479 : f32 to vector<8192xf32>
    %lt3A_481 = arith.cmpf olt, %abs3A_478, %lt3A_480 : vector<8192xf32>
    %select_n3A_482 = arith.select %lt3A_481, %div3A_477, %broadcast_in_dim3A_447 : vector<8192xi1>, vector<8192xf32>
    %gt3A_483 = arith.constant 6.10351563E-5 : f32
    %gt3A_484 = vector.broadcast %gt3A_483 : f32 to vector<8192xf32>
    %gt3A_485 = arith.cmpf ogt, %abs3A_478, %gt3A_484 : vector<8192xf32>
    %broadcast_in_dim3A_486 = arith.constant 0.000000e+00 : f32
    %broadcast_in_dim3A_487 = vector.broadcast %broadcast_in_dim3A_486 : f32 to vector<8192xf32>
    %select_n3A_488 = arith.select %gt3A_485, %broadcast_in_dim3A_487, %select_n3A_482 : vector<8192xi1>, vector<8192xf32>
    %le3A_489 = arith.constant 6 : i32
    %le3A_490 = vector.broadcast %le3A_489 : i32 to vector<8192xi32>
    %le3A_491 = arith.cmpi sle, %and3A_9, %le3A_490 : vector<8192xi32>
    %add3A_492 = arith.constant 8 : i32
    %add3A_493 = vector.broadcast %add3A_492 : i32 to vector<8192xi32>
    %add3A_494 = arith.addi %and3A_9, %add3A_493 : vector<8192xi32>
    %gt3A_495 = arith.constant 6 : i32
    %gt3A_496 = vector.broadcast %gt3A_495 : i32 to vector<8192xi32>
    %gt3A_497 = arith.cmpi sgt, %add3A_494, %gt3A_496 : vector<8192xi32>
    %and3A_498 = arith.andi %le3A_491, %gt3A_497 : vector<8192xi1>
    %broadcast_in_dim3A_499 = arith.constant 0.000000e+00 : f32
    %broadcast_in_dim3A_500 = vector.broadcast %broadcast_in_dim3A_499 : f32 to vector<8192xf32>
    %select_n3A_501 = arith.select %and3A_498, %select_n3A_488, %broadcast_in_dim3A_500 : vector<8192xi1>, vector<8192xf32>
    %slice3A_502 = vector.extract_strided_slice %transpose3A {offsets = [6, 0], sizes = [1, 8192], strides = [1, 1]} : vector<32x8192xf32> to vector<1x8192xf32>
    %squeeze3A_503 = vector.shape_cast %slice3A_502 : vector<1x8192xf32> to vector<8192xf32>
    %mul3A_504 = arith.mulf %select_n3A_501, %squeeze3A_503 : vector<8192xf32>
    %add3A_505 = arith.addf %add3A_433, %mul3A_504 : vector<8192xf32>
    %slice3A_506 = vector.extract_strided_slice %transpose3A {offsets = [22, 0], sizes = [1, 8192], strides = [1, 1]} : vector<32x8192xf32> to vector<1x8192xf32>
    %squeeze3A_507 = vector.shape_cast %slice3A_506 : vector<1x8192xf32> to vector<8192xf32>
    %mul3A_508 = arith.mulf %select_n3A_501, %squeeze3A_507 : vector<8192xf32>
    %add3A_509 = arith.addf %add3A_437, %mul3A_508 : vector<8192xf32>
    %add3A_510 = arith.constant 7 : i32
    %add3A_511 = vector.broadcast %add3A_510 : i32 to vector<8192xi32>
    %add3A_512 = arith.addi %sub3A_10, %add3A_511 : vector<8192xi32>
    %convert_element_type3A_513 = arith.sitofp %add3A_512 : vector<8192xi32> to vector<8192xf32>
    %div3A_514 = arith.constant 6.553600e+04 : f32
    %div3A_515 = vector.broadcast %div3A_514 : f32 to vector<8192xf32>
    %div3A_516 = arith.divf %convert_element_type3A_513, %div3A_515 : vector<8192xf32>
    %sub3A_517 = arith.subf %get3A_3, %div3A_516 : vector<8192xf32>
    %broadcast_in_dim3A_518 = arith.constant 1.500000e+00 : f32
    %broadcast_in_dim3A_519 = vector.broadcast %broadcast_in_dim3A_518 : f32 to vector<8192xf32>
    %mul3A_520 = arith.mulf %sub3A_517, %sub3A_517 : vector<8192xf32>
    %mul3A_521 = arith.constant 4.2949673E+9 : f32
    %mul3A_522 = vector.broadcast %mul3A_521 : f32 to vector<8192xf32>
    %mul3A_523 = arith.mulf %mul3A_522, %mul3A_520 : vector<8192xf32>
    %sub3A_524 = arith.constant 1.600000e+01 : f32
    %sub3A_525 = vector.broadcast %sub3A_524 : f32 to vector<8192xf32>
    %sub3A_526 = arith.subf %sub3A_525, %mul3A_523 : vector<8192xf32>
    %gt3A_527 = arith.constant 0.000000e+00 : f32
    %gt3A_528 = vector.broadcast %gt3A_527 : f32 to vector<8192xf32>
    %gt3A_529 = arith.cmpf ogt, %sub3A_526, %gt3A_528 : vector<8192xf32>
    %jit3A_530 = arith.constant 1.000000e+00 : f32
    %broadcast_in_dim3A_531 = vector.broadcast %jit3A_530 : f32 to vector<8192xf32>
    %select_n3A_532 = arith.select %gt3A_529, %sub3A_526, %broadcast_in_dim3A_531 : vector<8192xi1>, vector<8192xf32>
    %sqrt3A_533 = math.sqrt %select_n3A_532 : vector<8192xf32>
    %mul3A_534 = arith.constant 4.71238899 : f32
    %mul3A_535 = vector.broadcast %mul3A_534 : f32 to vector<8192xf32>
    %mul3A_536 = arith.mulf %mul3A_535, %sqrt3A_533 : vector<8192xf32>
    %exp3A_537 = math.exp %mul3A_536 : vector<8192xf32>
    %neg3A_538 = arith.constant 0.000000e+00 : f32
    %neg3A_539 = vector.broadcast %neg3A_538 : f32 to vector<8192xf32>
    %neg3A_540 = arith.subf %neg3A_539, %mul3A_536 : vector<8192xf32>
    %exp3A_541 = math.exp %neg3A_540 : vector<8192xf32>
    %sub3A_542 = arith.subf %exp3A_537, %exp3A_541 : vector<8192xf32>
    %mul3A_543 = arith.constant 5.000000e-01 : f32
    %mul3A_544 = vector.broadcast %mul3A_543 : f32 to vector<8192xf32>
    %mul3A_545 = arith.mulf %sub3A_542, %mul3A_544 : vector<8192xf32>
    %mul3A_546 = arith.constant 3.14159274 : f32
    %mul3A_547 = vector.broadcast %mul3A_546 : f32 to vector<8192xf32>
    %mul3A_548 = arith.mulf %sqrt3A_533, %mul3A_547 : vector<8192xf32>
    %div3A_549 = arith.divf %mul3A_545, %mul3A_548 : vector<8192xf32>
    %abs3A_550 = math.absf %sub3A_517 : vector<8192xf32>
    %lt3A_551 = arith.constant 6.10351563E-5 : f32
    %lt3A_552 = vector.broadcast %lt3A_551 : f32 to vector<8192xf32>
    %lt3A_553 = arith.cmpf olt, %abs3A_550, %lt3A_552 : vector<8192xf32>
    %select_n3A_554 = arith.select %lt3A_553, %div3A_549, %broadcast_in_dim3A_519 : vector<8192xi1>, vector<8192xf32>
    %gt3A_555 = arith.constant 6.10351563E-5 : f32
    %gt3A_556 = vector.broadcast %gt3A_555 : f32 to vector<8192xf32>
    %gt3A_557 = arith.cmpf ogt, %abs3A_550, %gt3A_556 : vector<8192xf32>
    %broadcast_in_dim3A_558 = arith.constant 0.000000e+00 : f32
    %broadcast_in_dim3A_559 = vector.broadcast %broadcast_in_dim3A_558 : f32 to vector<8192xf32>
    %select_n3A_560 = arith.select %gt3A_557, %broadcast_in_dim3A_559, %select_n3A_554 : vector<8192xi1>, vector<8192xf32>
    %le3A_561 = arith.constant 7 : i32
    %le3A_562 = vector.broadcast %le3A_561 : i32 to vector<8192xi32>
    %le3A_563 = arith.cmpi sle, %and3A_9, %le3A_562 : vector<8192xi32>
    %add3A_564 = arith.constant 8 : i32
    %add3A_565 = vector.broadcast %add3A_564 : i32 to vector<8192xi32>
    %add3A_566 = arith.addi %and3A_9, %add3A_565 : vector<8192xi32>
    %gt3A_567 = arith.constant 7 : i32
    %gt3A_568 = vector.broadcast %gt3A_567 : i32 to vector<8192xi32>
    %gt3A_569 = arith.cmpi sgt, %add3A_566, %gt3A_568 : vector<8192xi32>
    %and3A_570 = arith.andi %le3A_563, %gt3A_569 : vector<8192xi1>
    %broadcast_in_dim3A_571 = arith.constant 0.000000e+00 : f32
    %broadcast_in_dim3A_572 = vector.broadcast %broadcast_in_dim3A_571 : f32 to vector<8192xf32>
    %select_n3A_573 = arith.select %and3A_570, %select_n3A_560, %broadcast_in_dim3A_572 : vector<8192xi1>, vector<8192xf32>
    %slice3A_574 = vector.extract_strided_slice %transpose3A {offsets = [7, 0], sizes = [1, 8192], strides = [1, 1]} : vector<32x8192xf32> to vector<1x8192xf32>
    %squeeze3A_575 = vector.shape_cast %slice3A_574 : vector<1x8192xf32> to vector<8192xf32>
    %mul3A_576 = arith.mulf %select_n3A_573, %squeeze3A_575 : vector<8192xf32>
    %add3A_577 = arith.addf %add3A_505, %mul3A_576 : vector<8192xf32>
    %slice3A_578 = vector.extract_strided_slice %transpose3A {offsets = [23, 0], sizes = [1, 8192], strides = [1, 1]} : vector<32x8192xf32> to vector<1x8192xf32>
    %squeeze3A_579 = vector.shape_cast %slice3A_578 : vector<1x8192xf32> to vector<8192xf32>
    %mul3A_580 = arith.mulf %select_n3A_573, %squeeze3A_579 : vector<8192xf32>
    %add3A_581 = arith.addf %add3A_509, %mul3A_580 : vector<8192xf32>
    %add3A_582 = arith.constant 8 : i32
    %add3A_583 = vector.broadcast %add3A_582 : i32 to vector<8192xi32>
    %add3A_584 = arith.addi %sub3A_10, %add3A_583 : vector<8192xi32>
    %convert_element_type3A_585 = arith.sitofp %add3A_584 : vector<8192xi32> to vector<8192xf32>
    %div3A_586 = arith.constant 6.553600e+04 : f32
    %div3A_587 = vector.broadcast %div3A_586 : f32 to vector<8192xf32>
    %div3A_588 = arith.divf %convert_element_type3A_585, %div3A_587 : vector<8192xf32>
    %sub3A_589 = arith.subf %get3A_3, %div3A_588 : vector<8192xf32>
    %broadcast_in_dim3A_590 = arith.constant 1.500000e+00 : f32
    %broadcast_in_dim3A_591 = vector.broadcast %broadcast_in_dim3A_590 : f32 to vector<8192xf32>
    %mul3A_592 = arith.mulf %sub3A_589, %sub3A_589 : vector<8192xf32>
    %mul3A_593 = arith.constant 4.2949673E+9 : f32
    %mul3A_594 = vector.broadcast %mul3A_593 : f32 to vector<8192xf32>
    %mul3A_595 = arith.mulf %mul3A_594, %mul3A_592 : vector<8192xf32>
    %sub3A_596 = arith.constant 1.600000e+01 : f32
    %sub3A_597 = vector.broadcast %sub3A_596 : f32 to vector<8192xf32>
    %sub3A_598 = arith.subf %sub3A_597, %mul3A_595 : vector<8192xf32>
    %gt3A_599 = arith.constant 0.000000e+00 : f32
    %gt3A_600 = vector.broadcast %gt3A_599 : f32 to vector<8192xf32>
    %gt3A_601 = arith.cmpf ogt, %sub3A_598, %gt3A_600 : vector<8192xf32>
    %jit3A_602 = arith.constant 1.000000e+00 : f32
    %broadcast_in_dim3A_603 = vector.broadcast %jit3A_602 : f32 to vector<8192xf32>
    %select_n3A_604 = arith.select %gt3A_601, %sub3A_598, %broadcast_in_dim3A_603 : vector<8192xi1>, vector<8192xf32>
    %sqrt3A_605 = math.sqrt %select_n3A_604 : vector<8192xf32>
    %mul3A_606 = arith.constant 4.71238899 : f32
    %mul3A_607 = vector.broadcast %mul3A_606 : f32 to vector<8192xf32>
    %mul3A_608 = arith.mulf %mul3A_607, %sqrt3A_605 : vector<8192xf32>
    %exp3A_609 = math.exp %mul3A_608 : vector<8192xf32>
    %neg3A_610 = arith.constant 0.000000e+00 : f32
    %neg3A_611 = vector.broadcast %neg3A_610 : f32 to vector<8192xf32>
    %neg3A_612 = arith.subf %neg3A_611, %mul3A_608 : vector<8192xf32>
    %exp3A_613 = math.exp %neg3A_612 : vector<8192xf32>
    %sub3A_614 = arith.subf %exp3A_609, %exp3A_613 : vector<8192xf32>
    %mul3A_615 = arith.constant 5.000000e-01 : f32
    %mul3A_616 = vector.broadcast %mul3A_615 : f32 to vector<8192xf32>
    %mul3A_617 = arith.mulf %sub3A_614, %mul3A_616 : vector<8192xf32>
    %mul3A_618 = arith.constant 3.14159274 : f32
    %mul3A_619 = vector.broadcast %mul3A_618 : f32 to vector<8192xf32>
    %mul3A_620 = arith.mulf %sqrt3A_605, %mul3A_619 : vector<8192xf32>
    %div3A_621 = arith.divf %mul3A_617, %mul3A_620 : vector<8192xf32>
    %abs3A_622 = math.absf %sub3A_589 : vector<8192xf32>
    %lt3A_623 = arith.constant 6.10351563E-5 : f32
    %lt3A_624 = vector.broadcast %lt3A_623 : f32 to vector<8192xf32>
    %lt3A_625 = arith.cmpf olt, %abs3A_622, %lt3A_624 : vector<8192xf32>
    %select_n3A_626 = arith.select %lt3A_625, %div3A_621, %broadcast_in_dim3A_591 : vector<8192xi1>, vector<8192xf32>
    %gt3A_627 = arith.constant 6.10351563E-5 : f32
    %gt3A_628 = vector.broadcast %gt3A_627 : f32 to vector<8192xf32>
    %gt3A_629 = arith.cmpf ogt, %abs3A_622, %gt3A_628 : vector<8192xf32>
    %broadcast_in_dim3A_630 = arith.constant 0.000000e+00 : f32
    %broadcast_in_dim3A_631 = vector.broadcast %broadcast_in_dim3A_630 : f32 to vector<8192xf32>
    %select_n3A_632 = arith.select %gt3A_629, %broadcast_in_dim3A_631, %select_n3A_626 : vector<8192xi1>, vector<8192xf32>
    %le3A_633 = arith.constant 8 : i32
    %le3A_634 = vector.broadcast %le3A_633 : i32 to vector<8192xi32>
    %le3A_635 = arith.cmpi sle, %and3A_9, %le3A_634 : vector<8192xi32>
    %add3A_636 = arith.constant 8 : i32
    %add3A_637 = vector.broadcast %add3A_636 : i32 to vector<8192xi32>
    %add3A_638 = arith.addi %and3A_9, %add3A_637 : vector<8192xi32>
    %gt3A_639 = arith.constant 8 : i32
    %gt3A_640 = vector.broadcast %gt3A_639 : i32 to vector<8192xi32>
    %gt3A_641 = arith.cmpi sgt, %add3A_638, %gt3A_640 : vector<8192xi32>
    %and3A_642 = arith.andi %le3A_635, %gt3A_641 : vector<8192xi1>
    %broadcast_in_dim3A_643 = arith.constant 0.000000e+00 : f32
    %broadcast_in_dim3A_644 = vector.broadcast %broadcast_in_dim3A_643 : f32 to vector<8192xf32>
    %select_n3A_645 = arith.select %and3A_642, %select_n3A_632, %broadcast_in_dim3A_644 : vector<8192xi1>, vector<8192xf32>
    %slice3A_646 = vector.extract_strided_slice %transpose3A {offsets = [8, 0], sizes = [1, 8192], strides = [1, 1]} : vector<32x8192xf32> to vector<1x8192xf32>
    %squeeze3A_647 = vector.shape_cast %slice3A_646 : vector<1x8192xf32> to vector<8192xf32>
    %mul3A_648 = arith.mulf %select_n3A_645, %squeeze3A_647 : vector<8192xf32>
    %add3A_649 = arith.addf %add3A_577, %mul3A_648 : vector<8192xf32>
    %slice3A_650 = vector.extract_strided_slice %transpose3A {offsets = [24, 0], sizes = [1, 8192], strides = [1, 1]} : vector<32x8192xf32> to vector<1x8192xf32>
    %squeeze3A_651 = vector.shape_cast %slice3A_650 : vector<1x8192xf32> to vector<8192xf32>
    %mul3A_652 = arith.mulf %select_n3A_645, %squeeze3A_651 : vector<8192xf32>
    %add3A_653 = arith.addf %add3A_581, %mul3A_652 : vector<8192xf32>
    %add3A_654 = arith.constant 9 : i32
    %add3A_655 = vector.broadcast %add3A_654 : i32 to vector<8192xi32>
    %add3A_656 = arith.addi %sub3A_10, %add3A_655 : vector<8192xi32>
    %convert_element_type3A_657 = arith.sitofp %add3A_656 : vector<8192xi32> to vector<8192xf32>
    %div3A_658 = arith.constant 6.553600e+04 : f32
    %div3A_659 = vector.broadcast %div3A_658 : f32 to vector<8192xf32>
    %div3A_660 = arith.divf %convert_element_type3A_657, %div3A_659 : vector<8192xf32>
    %sub3A_661 = arith.subf %get3A_3, %div3A_660 : vector<8192xf32>
    %broadcast_in_dim3A_662 = arith.constant 1.500000e+00 : f32
    %broadcast_in_dim3A_663 = vector.broadcast %broadcast_in_dim3A_662 : f32 to vector<8192xf32>
    %mul3A_664 = arith.mulf %sub3A_661, %sub3A_661 : vector<8192xf32>
    %mul3A_665 = arith.constant 4.2949673E+9 : f32
    %mul3A_666 = vector.broadcast %mul3A_665 : f32 to vector<8192xf32>
    %mul3A_667 = arith.mulf %mul3A_666, %mul3A_664 : vector<8192xf32>
    %sub3A_668 = arith.constant 1.600000e+01 : f32
    %sub3A_669 = vector.broadcast %sub3A_668 : f32 to vector<8192xf32>
    %sub3A_670 = arith.subf %sub3A_669, %mul3A_667 : vector<8192xf32>
    %gt3A_671 = arith.constant 0.000000e+00 : f32
    %gt3A_672 = vector.broadcast %gt3A_671 : f32 to vector<8192xf32>
    %gt3A_673 = arith.cmpf ogt, %sub3A_670, %gt3A_672 : vector<8192xf32>
    %jit3A_674 = arith.constant 1.000000e+00 : f32
    %broadcast_in_dim3A_675 = vector.broadcast %jit3A_674 : f32 to vector<8192xf32>
    %select_n3A_676 = arith.select %gt3A_673, %sub3A_670, %broadcast_in_dim3A_675 : vector<8192xi1>, vector<8192xf32>
    %sqrt3A_677 = math.sqrt %select_n3A_676 : vector<8192xf32>
    %mul3A_678 = arith.constant 4.71238899 : f32
    %mul3A_679 = vector.broadcast %mul3A_678 : f32 to vector<8192xf32>
    %mul3A_680 = arith.mulf %mul3A_679, %sqrt3A_677 : vector<8192xf32>
    %exp3A_681 = math.exp %mul3A_680 : vector<8192xf32>
    %neg3A_682 = arith.constant 0.000000e+00 : f32
    %neg3A_683 = vector.broadcast %neg3A_682 : f32 to vector<8192xf32>
    %neg3A_684 = arith.subf %neg3A_683, %mul3A_680 : vector<8192xf32>
    %exp3A_685 = math.exp %neg3A_684 : vector<8192xf32>
    %sub3A_686 = arith.subf %exp3A_681, %exp3A_685 : vector<8192xf32>
    %mul3A_687 = arith.constant 5.000000e-01 : f32
    %mul3A_688 = vector.broadcast %mul3A_687 : f32 to vector<8192xf32>
    %mul3A_689 = arith.mulf %sub3A_686, %mul3A_688 : vector<8192xf32>
    %mul3A_690 = arith.constant 3.14159274 : f32
    %mul3A_691 = vector.broadcast %mul3A_690 : f32 to vector<8192xf32>
    %mul3A_692 = arith.mulf %sqrt3A_677, %mul3A_691 : vector<8192xf32>
    %div3A_693 = arith.divf %mul3A_689, %mul3A_692 : vector<8192xf32>
    %abs3A_694 = math.absf %sub3A_661 : vector<8192xf32>
    %lt3A_695 = arith.constant 6.10351563E-5 : f32
    %lt3A_696 = vector.broadcast %lt3A_695 : f32 to vector<8192xf32>
    %lt3A_697 = arith.cmpf olt, %abs3A_694, %lt3A_696 : vector<8192xf32>
    %select_n3A_698 = arith.select %lt3A_697, %div3A_693, %broadcast_in_dim3A_663 : vector<8192xi1>, vector<8192xf32>
    %gt3A_699 = arith.constant 6.10351563E-5 : f32
    %gt3A_700 = vector.broadcast %gt3A_699 : f32 to vector<8192xf32>
    %gt3A_701 = arith.cmpf ogt, %abs3A_694, %gt3A_700 : vector<8192xf32>
    %broadcast_in_dim3A_702 = arith.constant 0.000000e+00 : f32
    %broadcast_in_dim3A_703 = vector.broadcast %broadcast_in_dim3A_702 : f32 to vector<8192xf32>
    %select_n3A_704 = arith.select %gt3A_701, %broadcast_in_dim3A_703, %select_n3A_698 : vector<8192xi1>, vector<8192xf32>
    %le3A_705 = arith.constant 9 : i32
    %le3A_706 = vector.broadcast %le3A_705 : i32 to vector<8192xi32>
    %le3A_707 = arith.cmpi sle, %and3A_9, %le3A_706 : vector<8192xi32>
    %add3A_708 = arith.constant 8 : i32
    %add3A_709 = vector.broadcast %add3A_708 : i32 to vector<8192xi32>
    %add3A_710 = arith.addi %and3A_9, %add3A_709 : vector<8192xi32>
    %gt3A_711 = arith.constant 9 : i32
    %gt3A_712 = vector.broadcast %gt3A_711 : i32 to vector<8192xi32>
    %gt3A_713 = arith.cmpi sgt, %add3A_710, %gt3A_712 : vector<8192xi32>
    %and3A_714 = arith.andi %le3A_707, %gt3A_713 : vector<8192xi1>
    %broadcast_in_dim3A_715 = arith.constant 0.000000e+00 : f32
    %broadcast_in_dim3A_716 = vector.broadcast %broadcast_in_dim3A_715 : f32 to vector<8192xf32>
    %select_n3A_717 = arith.select %and3A_714, %select_n3A_704, %broadcast_in_dim3A_716 : vector<8192xi1>, vector<8192xf32>
    %slice3A_718 = vector.extract_strided_slice %transpose3A {offsets = [9, 0], sizes = [1, 8192], strides = [1, 1]} : vector<32x8192xf32> to vector<1x8192xf32>
    %squeeze3A_719 = vector.shape_cast %slice3A_718 : vector<1x8192xf32> to vector<8192xf32>
    %mul3A_720 = arith.mulf %select_n3A_717, %squeeze3A_719 : vector<8192xf32>
    %add3A_721 = arith.addf %add3A_649, %mul3A_720 : vector<8192xf32>
    %slice3A_722 = vector.extract_strided_slice %transpose3A {offsets = [25, 0], sizes = [1, 8192], strides = [1, 1]} : vector<32x8192xf32> to vector<1x8192xf32>
    %squeeze3A_723 = vector.shape_cast %slice3A_722 : vector<1x8192xf32> to vector<8192xf32>
    %mul3A_724 = arith.mulf %select_n3A_717, %squeeze3A_723 : vector<8192xf32>
    %add3A_725 = arith.addf %add3A_653, %mul3A_724 : vector<8192xf32>
    %add3A_726 = arith.constant 10 : i32
    %add3A_727 = vector.broadcast %add3A_726 : i32 to vector<8192xi32>
    %add3A_728 = arith.addi %sub3A_10, %add3A_727 : vector<8192xi32>
    %convert_element_type3A_729 = arith.sitofp %add3A_728 : vector<8192xi32> to vector<8192xf32>
    %div3A_730 = arith.constant 6.553600e+04 : f32
    %div3A_731 = vector.broadcast %div3A_730 : f32 to vector<8192xf32>
    %div3A_732 = arith.divf %convert_element_type3A_729, %div3A_731 : vector<8192xf32>
    %sub3A_733 = arith.subf %get3A_3, %div3A_732 : vector<8192xf32>
    %broadcast_in_dim3A_734 = arith.constant 1.500000e+00 : f32
    %broadcast_in_dim3A_735 = vector.broadcast %broadcast_in_dim3A_734 : f32 to vector<8192xf32>
    %mul3A_736 = arith.mulf %sub3A_733, %sub3A_733 : vector<8192xf32>
    %mul3A_737 = arith.constant 4.2949673E+9 : f32
    %mul3A_738 = vector.broadcast %mul3A_737 : f32 to vector<8192xf32>
    %mul3A_739 = arith.mulf %mul3A_738, %mul3A_736 : vector<8192xf32>
    %sub3A_740 = arith.constant 1.600000e+01 : f32
    %sub3A_741 = vector.broadcast %sub3A_740 : f32 to vector<8192xf32>
    %sub3A_742 = arith.subf %sub3A_741, %mul3A_739 : vector<8192xf32>
    %gt3A_743 = arith.constant 0.000000e+00 : f32
    %gt3A_744 = vector.broadcast %gt3A_743 : f32 to vector<8192xf32>
    %gt3A_745 = arith.cmpf ogt, %sub3A_742, %gt3A_744 : vector<8192xf32>
    %jit3A_746 = arith.constant 1.000000e+00 : f32
    %broadcast_in_dim3A_747 = vector.broadcast %jit3A_746 : f32 to vector<8192xf32>
    %select_n3A_748 = arith.select %gt3A_745, %sub3A_742, %broadcast_in_dim3A_747 : vector<8192xi1>, vector<8192xf32>
    %sqrt3A_749 = math.sqrt %select_n3A_748 : vector<8192xf32>
    %mul3A_750 = arith.constant 4.71238899 : f32
    %mul3A_751 = vector.broadcast %mul3A_750 : f32 to vector<8192xf32>
    %mul3A_752 = arith.mulf %mul3A_751, %sqrt3A_749 : vector<8192xf32>
    %exp3A_753 = math.exp %mul3A_752 : vector<8192xf32>
    %neg3A_754 = arith.constant 0.000000e+00 : f32
    %neg3A_755 = vector.broadcast %neg3A_754 : f32 to vector<8192xf32>
    %neg3A_756 = arith.subf %neg3A_755, %mul3A_752 : vector<8192xf32>
    %exp3A_757 = math.exp %neg3A_756 : vector<8192xf32>
    %sub3A_758 = arith.subf %exp3A_753, %exp3A_757 : vector<8192xf32>
    %mul3A_759 = arith.constant 5.000000e-01 : f32
    %mul3A_760 = vector.broadcast %mul3A_759 : f32 to vector<8192xf32>
    %mul3A_761 = arith.mulf %sub3A_758, %mul3A_760 : vector<8192xf32>
    %mul3A_762 = arith.constant 3.14159274 : f32
    %mul3A_763 = vector.broadcast %mul3A_762 : f32 to vector<8192xf32>
    %mul3A_764 = arith.mulf %sqrt3A_749, %mul3A_763 : vector<8192xf32>
    %div3A_765 = arith.divf %mul3A_761, %mul3A_764 : vector<8192xf32>
    %abs3A_766 = math.absf %sub3A_733 : vector<8192xf32>
    %lt3A_767 = arith.constant 6.10351563E-5 : f32
    %lt3A_768 = vector.broadcast %lt3A_767 : f32 to vector<8192xf32>
    %lt3A_769 = arith.cmpf olt, %abs3A_766, %lt3A_768 : vector<8192xf32>
    %select_n3A_770 = arith.select %lt3A_769, %div3A_765, %broadcast_in_dim3A_735 : vector<8192xi1>, vector<8192xf32>
    %gt3A_771 = arith.constant 6.10351563E-5 : f32
    %gt3A_772 = vector.broadcast %gt3A_771 : f32 to vector<8192xf32>
    %gt3A_773 = arith.cmpf ogt, %abs3A_766, %gt3A_772 : vector<8192xf32>
    %broadcast_in_dim3A_774 = arith.constant 0.000000e+00 : f32
    %broadcast_in_dim3A_775 = vector.broadcast %broadcast_in_dim3A_774 : f32 to vector<8192xf32>
    %select_n3A_776 = arith.select %gt3A_773, %broadcast_in_dim3A_775, %select_n3A_770 : vector<8192xi1>, vector<8192xf32>
    %le3A_777 = arith.constant 10 : i32
    %le3A_778 = vector.broadcast %le3A_777 : i32 to vector<8192xi32>
    %le3A_779 = arith.cmpi sle, %and3A_9, %le3A_778 : vector<8192xi32>
    %add3A_780 = arith.constant 8 : i32
    %add3A_781 = vector.broadcast %add3A_780 : i32 to vector<8192xi32>
    %add3A_782 = arith.addi %and3A_9, %add3A_781 : vector<8192xi32>
    %gt3A_783 = arith.constant 10 : i32
    %gt3A_784 = vector.broadcast %gt3A_783 : i32 to vector<8192xi32>
    %gt3A_785 = arith.cmpi sgt, %add3A_782, %gt3A_784 : vector<8192xi32>
    %and3A_786 = arith.andi %le3A_779, %gt3A_785 : vector<8192xi1>
    %broadcast_in_dim3A_787 = arith.constant 0.000000e+00 : f32
    %broadcast_in_dim3A_788 = vector.broadcast %broadcast_in_dim3A_787 : f32 to vector<8192xf32>
    %select_n3A_789 = arith.select %and3A_786, %select_n3A_776, %broadcast_in_dim3A_788 : vector<8192xi1>, vector<8192xf32>
    %slice3A_790 = vector.extract_strided_slice %transpose3A {offsets = [10, 0], sizes = [1, 8192], strides = [1, 1]} : vector<32x8192xf32> to vector<1x8192xf32>
    %squeeze3A_791 = vector.shape_cast %slice3A_790 : vector<1x8192xf32> to vector<8192xf32>
    %mul3A_792 = arith.mulf %select_n3A_789, %squeeze3A_791 : vector<8192xf32>
    %add3A_793 = arith.addf %add3A_721, %mul3A_792 : vector<8192xf32>
    %slice3A_794 = vector.extract_strided_slice %transpose3A {offsets = [26, 0], sizes = [1, 8192], strides = [1, 1]} : vector<32x8192xf32> to vector<1x8192xf32>
    %squeeze3A_795 = vector.shape_cast %slice3A_794 : vector<1x8192xf32> to vector<8192xf32>
    %mul3A_796 = arith.mulf %select_n3A_789, %squeeze3A_795 : vector<8192xf32>
    %add3A_797 = arith.addf %add3A_725, %mul3A_796 : vector<8192xf32>
    %add3A_798 = arith.constant 11 : i32
    %add3A_799 = vector.broadcast %add3A_798 : i32 to vector<8192xi32>
    %add3A_800 = arith.addi %sub3A_10, %add3A_799 : vector<8192xi32>
    %convert_element_type3A_801 = arith.sitofp %add3A_800 : vector<8192xi32> to vector<8192xf32>
    %div3A_802 = arith.constant 6.553600e+04 : f32
    %div3A_803 = vector.broadcast %div3A_802 : f32 to vector<8192xf32>
    %div3A_804 = arith.divf %convert_element_type3A_801, %div3A_803 : vector<8192xf32>
    %sub3A_805 = arith.subf %get3A_3, %div3A_804 : vector<8192xf32>
    %broadcast_in_dim3A_806 = arith.constant 1.500000e+00 : f32
    %broadcast_in_dim3A_807 = vector.broadcast %broadcast_in_dim3A_806 : f32 to vector<8192xf32>
    %mul3A_808 = arith.mulf %sub3A_805, %sub3A_805 : vector<8192xf32>
    %mul3A_809 = arith.constant 4.2949673E+9 : f32
    %mul3A_810 = vector.broadcast %mul3A_809 : f32 to vector<8192xf32>
    %mul3A_811 = arith.mulf %mul3A_810, %mul3A_808 : vector<8192xf32>
    %sub3A_812 = arith.constant 1.600000e+01 : f32
    %sub3A_813 = vector.broadcast %sub3A_812 : f32 to vector<8192xf32>
    %sub3A_814 = arith.subf %sub3A_813, %mul3A_811 : vector<8192xf32>
    %gt3A_815 = arith.constant 0.000000e+00 : f32
    %gt3A_816 = vector.broadcast %gt3A_815 : f32 to vector<8192xf32>
    %gt3A_817 = arith.cmpf ogt, %sub3A_814, %gt3A_816 : vector<8192xf32>
    %jit3A_818 = arith.constant 1.000000e+00 : f32
    %broadcast_in_dim3A_819 = vector.broadcast %jit3A_818 : f32 to vector<8192xf32>
    %select_n3A_820 = arith.select %gt3A_817, %sub3A_814, %broadcast_in_dim3A_819 : vector<8192xi1>, vector<8192xf32>
    %sqrt3A_821 = math.sqrt %select_n3A_820 : vector<8192xf32>
    %mul3A_822 = arith.constant 4.71238899 : f32
    %mul3A_823 = vector.broadcast %mul3A_822 : f32 to vector<8192xf32>
    %mul3A_824 = arith.mulf %mul3A_823, %sqrt3A_821 : vector<8192xf32>
    %exp3A_825 = math.exp %mul3A_824 : vector<8192xf32>
    %neg3A_826 = arith.constant 0.000000e+00 : f32
    %neg3A_827 = vector.broadcast %neg3A_826 : f32 to vector<8192xf32>
    %neg3A_828 = arith.subf %neg3A_827, %mul3A_824 : vector<8192xf32>
    %exp3A_829 = math.exp %neg3A_828 : vector<8192xf32>
    %sub3A_830 = arith.subf %exp3A_825, %exp3A_829 : vector<8192xf32>
    %mul3A_831 = arith.constant 5.000000e-01 : f32
    %mul3A_832 = vector.broadcast %mul3A_831 : f32 to vector<8192xf32>
    %mul3A_833 = arith.mulf %sub3A_830, %mul3A_832 : vector<8192xf32>
    %mul3A_834 = arith.constant 3.14159274 : f32
    %mul3A_835 = vector.broadcast %mul3A_834 : f32 to vector<8192xf32>
    %mul3A_836 = arith.mulf %sqrt3A_821, %mul3A_835 : vector<8192xf32>
    %div3A_837 = arith.divf %mul3A_833, %mul3A_836 : vector<8192xf32>
    %abs3A_838 = math.absf %sub3A_805 : vector<8192xf32>
    %lt3A_839 = arith.constant 6.10351563E-5 : f32
    %lt3A_840 = vector.broadcast %lt3A_839 : f32 to vector<8192xf32>
    %lt3A_841 = arith.cmpf olt, %abs3A_838, %lt3A_840 : vector<8192xf32>
    %select_n3A_842 = arith.select %lt3A_841, %div3A_837, %broadcast_in_dim3A_807 : vector<8192xi1>, vector<8192xf32>
    %gt3A_843 = arith.constant 6.10351563E-5 : f32
    %gt3A_844 = vector.broadcast %gt3A_843 : f32 to vector<8192xf32>
    %gt3A_845 = arith.cmpf ogt, %abs3A_838, %gt3A_844 : vector<8192xf32>
    %broadcast_in_dim3A_846 = arith.constant 0.000000e+00 : f32
    %broadcast_in_dim3A_847 = vector.broadcast %broadcast_in_dim3A_846 : f32 to vector<8192xf32>
    %select_n3A_848 = arith.select %gt3A_845, %broadcast_in_dim3A_847, %select_n3A_842 : vector<8192xi1>, vector<8192xf32>
    %le3A_849 = arith.constant 11 : i32
    %le3A_850 = vector.broadcast %le3A_849 : i32 to vector<8192xi32>
    %le3A_851 = arith.cmpi sle, %and3A_9, %le3A_850 : vector<8192xi32>
    %add3A_852 = arith.constant 8 : i32
    %add3A_853 = vector.broadcast %add3A_852 : i32 to vector<8192xi32>
    %add3A_854 = arith.addi %and3A_9, %add3A_853 : vector<8192xi32>
    %gt3A_855 = arith.constant 11 : i32
    %gt3A_856 = vector.broadcast %gt3A_855 : i32 to vector<8192xi32>
    %gt3A_857 = arith.cmpi sgt, %add3A_854, %gt3A_856 : vector<8192xi32>
    %and3A_858 = arith.andi %le3A_851, %gt3A_857 : vector<8192xi1>
    %broadcast_in_dim3A_859 = arith.constant 0.000000e+00 : f32
    %broadcast_in_dim3A_860 = vector.broadcast %broadcast_in_dim3A_859 : f32 to vector<8192xf32>
    %select_n3A_861 = arith.select %and3A_858, %select_n3A_848, %broadcast_in_dim3A_860 : vector<8192xi1>, vector<8192xf32>
    %slice3A_862 = vector.extract_strided_slice %transpose3A {offsets = [11, 0], sizes = [1, 8192], strides = [1, 1]} : vector<32x8192xf32> to vector<1x8192xf32>
    %squeeze3A_863 = vector.shape_cast %slice3A_862 : vector<1x8192xf32> to vector<8192xf32>
    %mul3A_864 = arith.mulf %select_n3A_861, %squeeze3A_863 : vector<8192xf32>
    %add3A_865 = arith.addf %add3A_793, %mul3A_864 : vector<8192xf32>
    %slice3A_866 = vector.extract_strided_slice %transpose3A {offsets = [27, 0], sizes = [1, 8192], strides = [1, 1]} : vector<32x8192xf32> to vector<1x8192xf32>
    %squeeze3A_867 = vector.shape_cast %slice3A_866 : vector<1x8192xf32> to vector<8192xf32>
    %mul3A_868 = arith.mulf %select_n3A_861, %squeeze3A_867 : vector<8192xf32>
    %add3A_869 = arith.addf %add3A_797, %mul3A_868 : vector<8192xf32>
    %add3A_870 = arith.constant 12 : i32
    %add3A_871 = vector.broadcast %add3A_870 : i32 to vector<8192xi32>
    %add3A_872 = arith.addi %sub3A_10, %add3A_871 : vector<8192xi32>
    %convert_element_type3A_873 = arith.sitofp %add3A_872 : vector<8192xi32> to vector<8192xf32>
    %div3A_874 = arith.constant 6.553600e+04 : f32
    %div3A_875 = vector.broadcast %div3A_874 : f32 to vector<8192xf32>
    %div3A_876 = arith.divf %convert_element_type3A_873, %div3A_875 : vector<8192xf32>
    %sub3A_877 = arith.subf %get3A_3, %div3A_876 : vector<8192xf32>
    %broadcast_in_dim3A_878 = arith.constant 1.500000e+00 : f32
    %broadcast_in_dim3A_879 = vector.broadcast %broadcast_in_dim3A_878 : f32 to vector<8192xf32>
    %mul3A_880 = arith.mulf %sub3A_877, %sub3A_877 : vector<8192xf32>
    %mul3A_881 = arith.constant 4.2949673E+9 : f32
    %mul3A_882 = vector.broadcast %mul3A_881 : f32 to vector<8192xf32>
    %mul3A_883 = arith.mulf %mul3A_882, %mul3A_880 : vector<8192xf32>
    %sub3A_884 = arith.constant 1.600000e+01 : f32
    %sub3A_885 = vector.broadcast %sub3A_884 : f32 to vector<8192xf32>
    %sub3A_886 = arith.subf %sub3A_885, %mul3A_883 : vector<8192xf32>
    %gt3A_887 = arith.constant 0.000000e+00 : f32
    %gt3A_888 = vector.broadcast %gt3A_887 : f32 to vector<8192xf32>
    %gt3A_889 = arith.cmpf ogt, %sub3A_886, %gt3A_888 : vector<8192xf32>
    %jit3A_890 = arith.constant 1.000000e+00 : f32
    %broadcast_in_dim3A_891 = vector.broadcast %jit3A_890 : f32 to vector<8192xf32>
    %select_n3A_892 = arith.select %gt3A_889, %sub3A_886, %broadcast_in_dim3A_891 : vector<8192xi1>, vector<8192xf32>
    %sqrt3A_893 = math.sqrt %select_n3A_892 : vector<8192xf32>
    %mul3A_894 = arith.constant 4.71238899 : f32
    %mul3A_895 = vector.broadcast %mul3A_894 : f32 to vector<8192xf32>
    %mul3A_896 = arith.mulf %mul3A_895, %sqrt3A_893 : vector<8192xf32>
    %exp3A_897 = math.exp %mul3A_896 : vector<8192xf32>
    %neg3A_898 = arith.constant 0.000000e+00 : f32
    %neg3A_899 = vector.broadcast %neg3A_898 : f32 to vector<8192xf32>
    %neg3A_900 = arith.subf %neg3A_899, %mul3A_896 : vector<8192xf32>
    %exp3A_901 = math.exp %neg3A_900 : vector<8192xf32>
    %sub3A_902 = arith.subf %exp3A_897, %exp3A_901 : vector<8192xf32>
    %mul3A_903 = arith.constant 5.000000e-01 : f32
    %mul3A_904 = vector.broadcast %mul3A_903 : f32 to vector<8192xf32>
    %mul3A_905 = arith.mulf %sub3A_902, %mul3A_904 : vector<8192xf32>
    %mul3A_906 = arith.constant 3.14159274 : f32
    %mul3A_907 = vector.broadcast %mul3A_906 : f32 to vector<8192xf32>
    %mul3A_908 = arith.mulf %sqrt3A_893, %mul3A_907 : vector<8192xf32>
    %div3A_909 = arith.divf %mul3A_905, %mul3A_908 : vector<8192xf32>
    %abs3A_910 = math.absf %sub3A_877 : vector<8192xf32>
    %lt3A_911 = arith.constant 6.10351563E-5 : f32
    %lt3A_912 = vector.broadcast %lt3A_911 : f32 to vector<8192xf32>
    %lt3A_913 = arith.cmpf olt, %abs3A_910, %lt3A_912 : vector<8192xf32>
    %select_n3A_914 = arith.select %lt3A_913, %div3A_909, %broadcast_in_dim3A_879 : vector<8192xi1>, vector<8192xf32>
    %gt3A_915 = arith.constant 6.10351563E-5 : f32
    %gt3A_916 = vector.broadcast %gt3A_915 : f32 to vector<8192xf32>
    %gt3A_917 = arith.cmpf ogt, %abs3A_910, %gt3A_916 : vector<8192xf32>
    %broadcast_in_dim3A_918 = arith.constant 0.000000e+00 : f32
    %broadcast_in_dim3A_919 = vector.broadcast %broadcast_in_dim3A_918 : f32 to vector<8192xf32>
    %select_n3A_920 = arith.select %gt3A_917, %broadcast_in_dim3A_919, %select_n3A_914 : vector<8192xi1>, vector<8192xf32>
    %le3A_921 = arith.constant 12 : i32
    %le3A_922 = vector.broadcast %le3A_921 : i32 to vector<8192xi32>
    %le3A_923 = arith.cmpi sle, %and3A_9, %le3A_922 : vector<8192xi32>
    %add3A_924 = arith.constant 8 : i32
    %add3A_925 = vector.broadcast %add3A_924 : i32 to vector<8192xi32>
    %add3A_926 = arith.addi %and3A_9, %add3A_925 : vector<8192xi32>
    %gt3A_927 = arith.constant 12 : i32
    %gt3A_928 = vector.broadcast %gt3A_927 : i32 to vector<8192xi32>
    %gt3A_929 = arith.cmpi sgt, %add3A_926, %gt3A_928 : vector<8192xi32>
    %and3A_930 = arith.andi %le3A_923, %gt3A_929 : vector<8192xi1>
    %broadcast_in_dim3A_931 = arith.constant 0.000000e+00 : f32
    %broadcast_in_dim3A_932 = vector.broadcast %broadcast_in_dim3A_931 : f32 to vector<8192xf32>
    %select_n3A_933 = arith.select %and3A_930, %select_n3A_920, %broadcast_in_dim3A_932 : vector<8192xi1>, vector<8192xf32>
    %slice3A_934 = vector.extract_strided_slice %transpose3A {offsets = [12, 0], sizes = [1, 8192], strides = [1, 1]} : vector<32x8192xf32> to vector<1x8192xf32>
    %squeeze3A_935 = vector.shape_cast %slice3A_934 : vector<1x8192xf32> to vector<8192xf32>
    %mul3A_936 = arith.mulf %select_n3A_933, %squeeze3A_935 : vector<8192xf32>
    %add3A_937 = arith.addf %add3A_865, %mul3A_936 : vector<8192xf32>
    %slice3A_938 = vector.extract_strided_slice %transpose3A {offsets = [28, 0], sizes = [1, 8192], strides = [1, 1]} : vector<32x8192xf32> to vector<1x8192xf32>
    %squeeze3A_939 = vector.shape_cast %slice3A_938 : vector<1x8192xf32> to vector<8192xf32>
    %mul3A_940 = arith.mulf %select_n3A_933, %squeeze3A_939 : vector<8192xf32>
    %add3A_941 = arith.addf %add3A_869, %mul3A_940 : vector<8192xf32>
    %add3A_942 = arith.constant 13 : i32
    %add3A_943 = vector.broadcast %add3A_942 : i32 to vector<8192xi32>
    %add3A_944 = arith.addi %sub3A_10, %add3A_943 : vector<8192xi32>
    %convert_element_type3A_945 = arith.sitofp %add3A_944 : vector<8192xi32> to vector<8192xf32>
    %div3A_946 = arith.constant 6.553600e+04 : f32
    %div3A_947 = vector.broadcast %div3A_946 : f32 to vector<8192xf32>
    %div3A_948 = arith.divf %convert_element_type3A_945, %div3A_947 : vector<8192xf32>
    %sub3A_949 = arith.subf %get3A_3, %div3A_948 : vector<8192xf32>
    %broadcast_in_dim3A_950 = arith.constant 1.500000e+00 : f32
    %broadcast_in_dim3A_951 = vector.broadcast %broadcast_in_dim3A_950 : f32 to vector<8192xf32>
    %mul3A_952 = arith.mulf %sub3A_949, %sub3A_949 : vector<8192xf32>
    %mul3A_953 = arith.constant 4.2949673E+9 : f32
    %mul3A_954 = vector.broadcast %mul3A_953 : f32 to vector<8192xf32>
    %mul3A_955 = arith.mulf %mul3A_954, %mul3A_952 : vector<8192xf32>
    %sub3A_956 = arith.constant 1.600000e+01 : f32
    %sub3A_957 = vector.broadcast %sub3A_956 : f32 to vector<8192xf32>
    %sub3A_958 = arith.subf %sub3A_957, %mul3A_955 : vector<8192xf32>
    %gt3A_959 = arith.constant 0.000000e+00 : f32
    %gt3A_960 = vector.broadcast %gt3A_959 : f32 to vector<8192xf32>
    %gt3A_961 = arith.cmpf ogt, %sub3A_958, %gt3A_960 : vector<8192xf32>
    %jit3A_962 = arith.constant 1.000000e+00 : f32
    %broadcast_in_dim3A_963 = vector.broadcast %jit3A_962 : f32 to vector<8192xf32>
    %select_n3A_964 = arith.select %gt3A_961, %sub3A_958, %broadcast_in_dim3A_963 : vector<8192xi1>, vector<8192xf32>
    %sqrt3A_965 = math.sqrt %select_n3A_964 : vector<8192xf32>
    %mul3A_966 = arith.constant 4.71238899 : f32
    %mul3A_967 = vector.broadcast %mul3A_966 : f32 to vector<8192xf32>
    %mul3A_968 = arith.mulf %mul3A_967, %sqrt3A_965 : vector<8192xf32>
    %exp3A_969 = math.exp %mul3A_968 : vector<8192xf32>
    %neg3A_970 = arith.constant 0.000000e+00 : f32
    %neg3A_971 = vector.broadcast %neg3A_970 : f32 to vector<8192xf32>
    %neg3A_972 = arith.subf %neg3A_971, %mul3A_968 : vector<8192xf32>
    %exp3A_973 = math.exp %neg3A_972 : vector<8192xf32>
    %sub3A_974 = arith.subf %exp3A_969, %exp3A_973 : vector<8192xf32>
    %mul3A_975 = arith.constant 5.000000e-01 : f32
    %mul3A_976 = vector.broadcast %mul3A_975 : f32 to vector<8192xf32>
    %mul3A_977 = arith.mulf %sub3A_974, %mul3A_976 : vector<8192xf32>
    %mul3A_978 = arith.constant 3.14159274 : f32
    %mul3A_979 = vector.broadcast %mul3A_978 : f32 to vector<8192xf32>
    %mul3A_980 = arith.mulf %sqrt3A_965, %mul3A_979 : vector<8192xf32>
    %div3A_981 = arith.divf %mul3A_977, %mul3A_980 : vector<8192xf32>
    %abs3A_982 = math.absf %sub3A_949 : vector<8192xf32>
    %lt3A_983 = arith.constant 6.10351563E-5 : f32
    %lt3A_984 = vector.broadcast %lt3A_983 : f32 to vector<8192xf32>
    %lt3A_985 = arith.cmpf olt, %abs3A_982, %lt3A_984 : vector<8192xf32>
    %select_n3A_986 = arith.select %lt3A_985, %div3A_981, %broadcast_in_dim3A_951 : vector<8192xi1>, vector<8192xf32>
    %gt3A_987 = arith.constant 6.10351563E-5 : f32
    %gt3A_988 = vector.broadcast %gt3A_987 : f32 to vector<8192xf32>
    %gt3A_989 = arith.cmpf ogt, %abs3A_982, %gt3A_988 : vector<8192xf32>
    %broadcast_in_dim3A_990 = arith.constant 0.000000e+00 : f32
    %broadcast_in_dim3A_991 = vector.broadcast %broadcast_in_dim3A_990 : f32 to vector<8192xf32>
    %select_n3A_992 = arith.select %gt3A_989, %broadcast_in_dim3A_991, %select_n3A_986 : vector<8192xi1>, vector<8192xf32>
    %le3A_993 = arith.constant 13 : i32
    %le3A_994 = vector.broadcast %le3A_993 : i32 to vector<8192xi32>
    %le3A_995 = arith.cmpi sle, %and3A_9, %le3A_994 : vector<8192xi32>
    %add3A_996 = arith.constant 8 : i32
    %add3A_997 = vector.broadcast %add3A_996 : i32 to vector<8192xi32>
    %add3A_998 = arith.addi %and3A_9, %add3A_997 : vector<8192xi32>
    %gt3A_999 = arith.constant 13 : i32
    %gt3A_1000 = vector.broadcast %gt3A_999 : i32 to vector<8192xi32>
    %gt3A_1001 = arith.cmpi sgt, %add3A_998, %gt3A_1000 : vector<8192xi32>
    %and3A_1002 = arith.andi %le3A_995, %gt3A_1001 : vector<8192xi1>
    %broadcast_in_dim3A_1003 = arith.constant 0.000000e+00 : f32
    %broadcast_in_dim3A_1004 = vector.broadcast %broadcast_in_dim3A_1003 : f32 to vector<8192xf32>
    %select_n3A_1005 = arith.select %and3A_1002, %select_n3A_992, %broadcast_in_dim3A_1004 : vector<8192xi1>, vector<8192xf32>
    %slice3A_1006 = vector.extract_strided_slice %transpose3A {offsets = [13, 0], sizes = [1, 8192], strides = [1, 1]} : vector<32x8192xf32> to vector<1x8192xf32>
    %squeeze3A_1007 = vector.shape_cast %slice3A_1006 : vector<1x8192xf32> to vector<8192xf32>
    %mul3A_1008 = arith.mulf %select_n3A_1005, %squeeze3A_1007 : vector<8192xf32>
    %add3A_1009 = arith.addf %add3A_937, %mul3A_1008 : vector<8192xf32>
    %slice3A_1010 = vector.extract_strided_slice %transpose3A {offsets = [29, 0], sizes = [1, 8192], strides = [1, 1]} : vector<32x8192xf32> to vector<1x8192xf32>
    %squeeze3A_1011 = vector.shape_cast %slice3A_1010 : vector<1x8192xf32> to vector<8192xf32>
    %mul3A_1012 = arith.mulf %select_n3A_1005, %squeeze3A_1011 : vector<8192xf32>
    %add3A_1013 = arith.addf %add3A_941, %mul3A_1012 : vector<8192xf32>
    %add3A_1014 = arith.constant 14 : i32
    %add3A_1015 = vector.broadcast %add3A_1014 : i32 to vector<8192xi32>
    %add3A_1016 = arith.addi %sub3A_10, %add3A_1015 : vector<8192xi32>
    %convert_element_type3A_1017 = arith.sitofp %add3A_1016 : vector<8192xi32> to vector<8192xf32>
    %div3A_1018 = arith.constant 6.553600e+04 : f32
    %div3A_1019 = vector.broadcast %div3A_1018 : f32 to vector<8192xf32>
    %div3A_1020 = arith.divf %convert_element_type3A_1017, %div3A_1019 : vector<8192xf32>
    %sub3A_1021 = arith.subf %get3A_3, %div3A_1020 : vector<8192xf32>
    %broadcast_in_dim3A_1022 = arith.constant 1.500000e+00 : f32
    %broadcast_in_dim3A_1023 = vector.broadcast %broadcast_in_dim3A_1022 : f32 to vector<8192xf32>
    %mul3A_1024 = arith.mulf %sub3A_1021, %sub3A_1021 : vector<8192xf32>
    %mul3A_1025 = arith.constant 4.2949673E+9 : f32
    %mul3A_1026 = vector.broadcast %mul3A_1025 : f32 to vector<8192xf32>
    %mul3A_1027 = arith.mulf %mul3A_1026, %mul3A_1024 : vector<8192xf32>
    %sub3A_1028 = arith.constant 1.600000e+01 : f32
    %sub3A_1029 = vector.broadcast %sub3A_1028 : f32 to vector<8192xf32>
    %sub3A_1030 = arith.subf %sub3A_1029, %mul3A_1027 : vector<8192xf32>
    %gt3A_1031 = arith.constant 0.000000e+00 : f32
    %gt3A_1032 = vector.broadcast %gt3A_1031 : f32 to vector<8192xf32>
    %gt3A_1033 = arith.cmpf ogt, %sub3A_1030, %gt3A_1032 : vector<8192xf32>
    %jit3A_1034 = arith.constant 1.000000e+00 : f32
    %broadcast_in_dim3A_1035 = vector.broadcast %jit3A_1034 : f32 to vector<8192xf32>
    %select_n3A_1036 = arith.select %gt3A_1033, %sub3A_1030, %broadcast_in_dim3A_1035 : vector<8192xi1>, vector<8192xf32>
    %sqrt3A_1037 = math.sqrt %select_n3A_1036 : vector<8192xf32>
    %mul3A_1038 = arith.constant 4.71238899 : f32
    %mul3A_1039 = vector.broadcast %mul3A_1038 : f32 to vector<8192xf32>
    %mul3A_1040 = arith.mulf %mul3A_1039, %sqrt3A_1037 : vector<8192xf32>
    %exp3A_1041 = math.exp %mul3A_1040 : vector<8192xf32>
    %neg3A_1042 = arith.constant 0.000000e+00 : f32
    %neg3A_1043 = vector.broadcast %neg3A_1042 : f32 to vector<8192xf32>
    %neg3A_1044 = arith.subf %neg3A_1043, %mul3A_1040 : vector<8192xf32>
    %exp3A_1045 = math.exp %neg3A_1044 : vector<8192xf32>
    %sub3A_1046 = arith.subf %exp3A_1041, %exp3A_1045 : vector<8192xf32>
    %mul3A_1047 = arith.constant 5.000000e-01 : f32
    %mul3A_1048 = vector.broadcast %mul3A_1047 : f32 to vector<8192xf32>
    %mul3A_1049 = arith.mulf %sub3A_1046, %mul3A_1048 : vector<8192xf32>
    %mul3A_1050 = arith.constant 3.14159274 : f32
    %mul3A_1051 = vector.broadcast %mul3A_1050 : f32 to vector<8192xf32>
    %mul3A_1052 = arith.mulf %sqrt3A_1037, %mul3A_1051 : vector<8192xf32>
    %div3A_1053 = arith.divf %mul3A_1049, %mul3A_1052 : vector<8192xf32>
    %abs3A_1054 = math.absf %sub3A_1021 : vector<8192xf32>
    %lt3A_1055 = arith.constant 6.10351563E-5 : f32
    %lt3A_1056 = vector.broadcast %lt3A_1055 : f32 to vector<8192xf32>
    %lt3A_1057 = arith.cmpf olt, %abs3A_1054, %lt3A_1056 : vector<8192xf32>
    %select_n3A_1058 = arith.select %lt3A_1057, %div3A_1053, %broadcast_in_dim3A_1023 : vector<8192xi1>, vector<8192xf32>
    %gt3A_1059 = arith.constant 6.10351563E-5 : f32
    %gt3A_1060 = vector.broadcast %gt3A_1059 : f32 to vector<8192xf32>
    %gt3A_1061 = arith.cmpf ogt, %abs3A_1054, %gt3A_1060 : vector<8192xf32>
    %broadcast_in_dim3A_1062 = arith.constant 0.000000e+00 : f32
    %broadcast_in_dim3A_1063 = vector.broadcast %broadcast_in_dim3A_1062 : f32 to vector<8192xf32>
    %select_n3A_1064 = arith.select %gt3A_1061, %broadcast_in_dim3A_1063, %select_n3A_1058 : vector<8192xi1>, vector<8192xf32>
    %le3A_1065 = arith.constant 14 : i32
    %le3A_1066 = vector.broadcast %le3A_1065 : i32 to vector<8192xi32>
    %le3A_1067 = arith.cmpi sle, %and3A_9, %le3A_1066 : vector<8192xi32>
    %add3A_1068 = arith.constant 8 : i32
    %add3A_1069 = vector.broadcast %add3A_1068 : i32 to vector<8192xi32>
    %add3A_1070 = arith.addi %and3A_9, %add3A_1069 : vector<8192xi32>
    %gt3A_1071 = arith.constant 14 : i32
    %gt3A_1072 = vector.broadcast %gt3A_1071 : i32 to vector<8192xi32>
    %gt3A_1073 = arith.cmpi sgt, %add3A_1070, %gt3A_1072 : vector<8192xi32>
    %and3A_1074 = arith.andi %le3A_1067, %gt3A_1073 : vector<8192xi1>
    %broadcast_in_dim3A_1075 = arith.constant 0.000000e+00 : f32
    %broadcast_in_dim3A_1076 = vector.broadcast %broadcast_in_dim3A_1075 : f32 to vector<8192xf32>
    %select_n3A_1077 = arith.select %and3A_1074, %select_n3A_1064, %broadcast_in_dim3A_1076 : vector<8192xi1>, vector<8192xf32>
    %slice3A_1078 = vector.extract_strided_slice %transpose3A {offsets = [14, 0], sizes = [1, 8192], strides = [1, 1]} : vector<32x8192xf32> to vector<1x8192xf32>
    %squeeze3A_1079 = vector.shape_cast %slice3A_1078 : vector<1x8192xf32> to vector<8192xf32>
    %mul3A_1080 = arith.mulf %select_n3A_1077, %squeeze3A_1079 : vector<8192xf32>
    %add3A_1081 = arith.addf %add3A_1009, %mul3A_1080 : vector<8192xf32>
    %slice3A_1082 = vector.extract_strided_slice %transpose3A {offsets = [30, 0], sizes = [1, 8192], strides = [1, 1]} : vector<32x8192xf32> to vector<1x8192xf32>
    %squeeze3A_1083 = vector.shape_cast %slice3A_1082 : vector<1x8192xf32> to vector<8192xf32>
    %mul3A_1084 = arith.mulf %select_n3A_1077, %squeeze3A_1083 : vector<8192xf32>
    %add3A_1085 = arith.addf %add3A_1013, %mul3A_1084 : vector<8192xf32>
    %add3A_1086 = arith.constant 15 : i32
    %add3A_1087 = vector.broadcast %add3A_1086 : i32 to vector<8192xi32>
    %add3A_1088 = arith.addi %sub3A_10, %add3A_1087 : vector<8192xi32>
    %convert_element_type3A_1089 = arith.sitofp %add3A_1088 : vector<8192xi32> to vector<8192xf32>
    %div3A_1090 = arith.constant 6.553600e+04 : f32
    %div3A_1091 = vector.broadcast %div3A_1090 : f32 to vector<8192xf32>
    %div3A_1092 = arith.divf %convert_element_type3A_1089, %div3A_1091 : vector<8192xf32>
    %sub3A_1093 = arith.subf %get3A_3, %div3A_1092 : vector<8192xf32>
    %broadcast_in_dim3A_1094 = arith.constant 1.500000e+00 : f32
    %broadcast_in_dim3A_1095 = vector.broadcast %broadcast_in_dim3A_1094 : f32 to vector<8192xf32>
    %mul3A_1096 = arith.mulf %sub3A_1093, %sub3A_1093 : vector<8192xf32>
    %mul3A_1097 = arith.constant 4.2949673E+9 : f32
    %mul3A_1098 = vector.broadcast %mul3A_1097 : f32 to vector<8192xf32>
    %mul3A_1099 = arith.mulf %mul3A_1098, %mul3A_1096 : vector<8192xf32>
    %sub3A_1100 = arith.constant 1.600000e+01 : f32
    %sub3A_1101 = vector.broadcast %sub3A_1100 : f32 to vector<8192xf32>
    %sub3A_1102 = arith.subf %sub3A_1101, %mul3A_1099 : vector<8192xf32>
    %gt3A_1103 = arith.constant 0.000000e+00 : f32
    %gt3A_1104 = vector.broadcast %gt3A_1103 : f32 to vector<8192xf32>
    %gt3A_1105 = arith.cmpf ogt, %sub3A_1102, %gt3A_1104 : vector<8192xf32>
    %jit3A_1106 = arith.constant 1.000000e+00 : f32
    %broadcast_in_dim3A_1107 = vector.broadcast %jit3A_1106 : f32 to vector<8192xf32>
    %select_n3A_1108 = arith.select %gt3A_1105, %sub3A_1102, %broadcast_in_dim3A_1107 : vector<8192xi1>, vector<8192xf32>
    %sqrt3A_1109 = math.sqrt %select_n3A_1108 : vector<8192xf32>
    %mul3A_1110 = arith.constant 4.71238899 : f32
    %mul3A_1111 = vector.broadcast %mul3A_1110 : f32 to vector<8192xf32>
    %mul3A_1112 = arith.mulf %mul3A_1111, %sqrt3A_1109 : vector<8192xf32>
    %exp3A_1113 = math.exp %mul3A_1112 : vector<8192xf32>
    %neg3A_1114 = arith.constant 0.000000e+00 : f32
    %neg3A_1115 = vector.broadcast %neg3A_1114 : f32 to vector<8192xf32>
    %neg3A_1116 = arith.subf %neg3A_1115, %mul3A_1112 : vector<8192xf32>
    %exp3A_1117 = math.exp %neg3A_1116 : vector<8192xf32>
    %sub3A_1118 = arith.subf %exp3A_1113, %exp3A_1117 : vector<8192xf32>
    %mul3A_1119 = arith.constant 5.000000e-01 : f32
    %mul3A_1120 = vector.broadcast %mul3A_1119 : f32 to vector<8192xf32>
    %mul3A_1121 = arith.mulf %sub3A_1118, %mul3A_1120 : vector<8192xf32>
    %mul3A_1122 = arith.constant 3.14159274 : f32
    %mul3A_1123 = vector.broadcast %mul3A_1122 : f32 to vector<8192xf32>
    %mul3A_1124 = arith.mulf %sqrt3A_1109, %mul3A_1123 : vector<8192xf32>
    %div3A_1125 = arith.divf %mul3A_1121, %mul3A_1124 : vector<8192xf32>
    %abs3A_1126 = math.absf %sub3A_1093 : vector<8192xf32>
    %lt3A_1127 = arith.constant 6.10351563E-5 : f32
    %lt3A_1128 = vector.broadcast %lt3A_1127 : f32 to vector<8192xf32>
    %lt3A_1129 = arith.cmpf olt, %abs3A_1126, %lt3A_1128 : vector<8192xf32>
    %select_n3A_1130 = arith.select %lt3A_1129, %div3A_1125, %broadcast_in_dim3A_1095 : vector<8192xi1>, vector<8192xf32>
    %gt3A_1131 = arith.constant 6.10351563E-5 : f32
    %gt3A_1132 = vector.broadcast %gt3A_1131 : f32 to vector<8192xf32>
    %gt3A_1133 = arith.cmpf ogt, %abs3A_1126, %gt3A_1132 : vector<8192xf32>
    %broadcast_in_dim3A_1134 = arith.constant 0.000000e+00 : f32
    %broadcast_in_dim3A_1135 = vector.broadcast %broadcast_in_dim3A_1134 : f32 to vector<8192xf32>
    %select_n3A_1136 = arith.select %gt3A_1133, %broadcast_in_dim3A_1135, %select_n3A_1130 : vector<8192xi1>, vector<8192xf32>
    %le3A_1137 = arith.constant 15 : i32
    %le3A_1138 = vector.broadcast %le3A_1137 : i32 to vector<8192xi32>
    %le3A_1139 = arith.cmpi sle, %and3A_9, %le3A_1138 : vector<8192xi32>
    %add3A_1140 = arith.constant 8 : i32
    %add3A_1141 = vector.broadcast %add3A_1140 : i32 to vector<8192xi32>
    %add3A_1142 = arith.addi %and3A_9, %add3A_1141 : vector<8192xi32>
    %gt3A_1143 = arith.constant 15 : i32
    %gt3A_1144 = vector.broadcast %gt3A_1143 : i32 to vector<8192xi32>
    %gt3A_1145 = arith.cmpi sgt, %add3A_1142, %gt3A_1144 : vector<8192xi32>
    %and3A_1146 = arith.andi %le3A_1139, %gt3A_1145 : vector<8192xi1>
    %broadcast_in_dim3A_1147 = arith.constant 0.000000e+00 : f32
    %broadcast_in_dim3A_1148 = vector.broadcast %broadcast_in_dim3A_1147 : f32 to vector<8192xf32>
    %select_n3A_1149 = arith.select %and3A_1146, %select_n3A_1136, %broadcast_in_dim3A_1148 : vector<8192xi1>, vector<8192xf32>
    %slice3A_1150 = vector.extract_strided_slice %transpose3A {offsets = [15, 0], sizes = [1, 8192], strides = [1, 1]} : vector<32x8192xf32> to vector<1x8192xf32>
    %squeeze3A_1151 = vector.shape_cast %slice3A_1150 : vector<1x8192xf32> to vector<8192xf32>
    %mul3A_1152 = arith.mulf %select_n3A_1149, %squeeze3A_1151 : vector<8192xf32>
    %add3A_1153 = arith.addf %add3A_1081, %mul3A_1152 : vector<8192xf32>
    %slice3A_1154 = vector.extract_strided_slice %transpose3A {offsets = [31, 0], sizes = [1, 8192], strides = [1, 1]} : vector<32x8192xf32> to vector<1x8192xf32>
    %squeeze3A_1155 = vector.shape_cast %slice3A_1154 : vector<1x8192xf32> to vector<8192xf32>
    %mul3A_1156 = arith.mulf %select_n3A_1149, %squeeze3A_1155 : vector<8192xf32>
    %add3A_1157 = arith.addf %add3A_1085, %mul3A_1156 : vector<8192xf32>
    %swap3A = arith.constant 0 : index
    %swap3A_1158 = arith.constant 0 : index
    %swap3A_1159 = arith.constant 0 : index
    %swap3A_1160 = vector.load %arg3[%swap3A, %swap3A_1158, %swap3A_1159] : memref<1x1x8192xf32, #tpu.memory_space<vmem>>, vector<1x1x8192xf32>
    %swap3A_1161 = vector.shape_cast %swap3A_1160 : vector<1x1x8192xf32> to vector<8192xf32>
    %swap3A_1162 = vector.shape_cast %add3A_1153 : vector<8192xf32> to vector<1x1x8192xf32>
    tpu.vector_store %arg3[%swap3A, %swap3A_1158, %swap3A_1159], %swap3A_1162 {strides = array<i32>} : memref<1x1x8192xf32, #tpu.memory_space<vmem>>, vector<1x1x8192xf32>,
    %swap3A_1163 = arith.constant 0 : index
    %swap3A_1164 = arith.constant 0 : index
    %swap3A_1165 = arith.constant 0 : index
    %swap3A_1166 = vector.load %arg4[%swap3A_1163, %swap3A_1164, %swap3A_1165] : memref<1x1x8192xf32, #tpu.memory_space<vmem>>, vector<1x1x8192xf32>
    %swap3A_1167 = vector.shape_cast %swap3A_1166 : vector<1x1x8192xf32> to vector<8192xf32>
    %swap3A_1168 = vector.shape_cast %add3A_1157 : vector<8192xf32> to vector<1x1x8192xf32>
    tpu.vector_store %arg4[%swap3A_1163, %swap3A_1164, %swap3A_1165], %swap3A_1168 {strides = array<i32>} : memref<1x1x8192xf32, #tpu.memory_space<vmem>>, vector<1x1x8192xf32>,
    return
  }
  func.func @transform_0(%arg0: i32) -> (i32, i32, i32) {
    %c0_i32 = arith.constant 0 : i32
    %c0_i32_0 = arith.constant 0 : i32
    %c0_i32_1 = arith.constant 0 : i32
    return %arg0, %c0_i32, %c0_i32_0 : i32, i32, i32
  }
  func.func @transform_1(%arg0: i32) -> (i32, i32, i32) {
    %c0_i32 = arith.constant 0 : i32
    %c0_i32_0 = arith.constant 0 : i32
    %c0_i32_1 = arith.constant 0 : i32
    return %arg0, %c0_i32, %c0_i32_0 : i32, i32, i32
  }
  func.func @transform_2(%arg0: i32) -> (i32, i32, i32) {
    %c0_i32 = arith.constant 0 : i32
    %c0_i32_0 = arith.constant 0 : i32
    %c0_i32_1 = arith.constant 0 : i32
    return %arg0, %c0_i32, %c0_i32_0 : i32, i32, i32
  }
  func.func @transform_3(%arg0: i32) -> (i32, i32, i32) {
    %c0_i32 = arith.constant 0 : i32
    %c0_i32_0 = arith.constant 0 : i32
    %c0_i32_1 = arith.constant 0 : i32
    return %arg0, %c0_i32, %c0_i32_0 : i32, i32, i32
  }
}

</mosaic_0001>

<sc_bundles>
// kernel: kernel.6.cloned.1.call-start
scs
__scs_entry_jumppad:
0x0: {  	(pc) =	sbr.rel $0x88, $3  }
0x1: {  	(tag) =	ssettag $0x0;
	lr =	simm.s32 $0x1  }
0x2: {  	[smem:$0x3F9E] =	sst lr;
	_ =	strace $0xD0000000  }
0x3: {  	_ = 	snop  }
0x4: {  	_ = 	snop  }
0x5: {  	_ = 	snop  }
0x6: {  	_ = 	snop  }
0x7: {  	_ = 	snop  }
__scs_overlays_trampoline_lowered:
0x8: {  	[smem:$0x3FAD] =	sst s0  }
0x9: {  	[smem:$0x3FAE] =	sst s1  }
0xa: {  	[smem:$0x3FAF] =	sst s2  }
0xb: {  	[smem:$0x3FB0] =	sst s3  }
0xc: {  	[smem:$0x3FB1] =	sst s4  }
0xd: {  	[smem:$0x3FB2] =	sst s5  }
0xe: {  	[smem:$0x3FB3] =	sst s6  }
0xf: {  	[smem:$0x3FB4] =	sst s7  }
0x10: {  	[smem:$0x3FB5] =	sst s8  }
0x11: {  	[smem:$0x3FB6] =	sst s9;
	s0 =	simm.s32 @!p0 $0x0  }
0x12: {  	s1 =	sld [smem:$0x3F9C];
	s0 =	simm.s32 @p0 $0x1  }
0x13: {  	[smem:$0x3FB7] =	sst s0;
	s0 =	simm.s32 @!p1 $0x0  }
0x14: {  	s2 =	sld [smem:$0x3F9B];
	s0 =	simm.s32 @p1 $0x1  }
0x15: {  	[smem:$0x3FB8] =	sst s0;
	s0 =	simm.s32 @!p2 $0x0  }
0x16: {  	s3 =	sld [smem:$0x3FDB];
	s0 =	simm.s32 @p2 $0x1  }
0x17: {  	s4 =	simm.s32 $0x1BF5;
	[smem:$0x3FBA] =	sst s0  }
0x18: {  	s0 =	sld [smem:$0x3F9D];
	_ =	swait.ge [sflag:s4], $0x0  }
0x19: {  	s7 =	sld [smem:$0x3F9E]  }
0x1a: {  	s8 =	sadd.s32 $0xFFFFE003, lr  }
0x1b: {  	s9 =	sadd.s32 $0xFFFFFEF7, lr;
	s5 =	simm.s32 $0xFFFFFFFF;
	p2 =	slt.u32 s8, $0xFFFFF086  }
0x1c: {  	p1 =	slt.u32 s9, $0xF7A;
	s5 =	simm.s32 @!p2 $0x0  }
0x1d: {  	s5 =	simm.s32 @p1 $0x1;
	p0 =	seq.s32 s7, s2  }
0x1e: {  	s7 =	smul.u32 @!p0 $0xF7A, s2;
	p2 =	seq.s32 @!p0 s5, $0x0  }
0x1f: {  	s9 =	smul.u32 $0xF7A, s1;
	s8 =	simm.s32 @!p0 $0x1BF5;
	p2 =	por !p2, p0  }
0x20: {  	[sflag:s8] =	ssyncset.s32 @!p0 $0xFFFFF086;
	s6 =	sadd.s32 @!p0 s3, s7;
	s7 =	simm.s32 @!p0 $0x108  }
0x21: {  	s3 =	sadd.s32 s3, s9;
	s6 =	sadd.s32 @!p0 $0x88, s6;
	s7 =	simm.s32 @p2 $0x1082  }
0x22: {  	[simem:s7], [sflag:s8] =	dma.local @!p0 [hbm:s6], $0xF7A  }
0x23: {  	s9 =	sor.u32 $0xD0000000, s2;
	s6 =	simm.s32 $0x108;
	_ =	swait.ge @!p0 [sflag:s8], $0x0  }
0x24: {  	s3 =	sadd.s32 $0x88, s3;
	s6 =	simm.s32 @!p1 $0x1082;
	[sflag:s4] =	ssyncset.s32 $0xFFFFF086  }
0x25: {  	[simem:s6], [sflag:s4] =	dma.local [hbm:s3], $0xF7A  }
0x26: {  	[smem:$0x3F9E] =	sst s1;
	(tag) =	ssettag s2;
	_ =	strace s9  }
0x27: {  	s1 =	sld [smem:$0x3FAE]  }
0x28: {  	s2 =	sld [smem:$0x3FAF]  }
0x29: {  	s4 =	sld [smem:$0x3FB1]  }
0x2a: {  	p0 =	seq.s32 s5, $0x0;
	s5 =	sld [smem:$0x3FB2]  }
0x2b: {  	s6 =	sld [smem:$0x3FB3]  }
0x2c: {  	s7 =	sld [smem:$0x3FB4]  }
0x2d: {  	s3 =	simm.s32 $0x108;
	s8 =	sld [smem:$0x3FB5]  }
0x2e: {  	s3 =	simm.s32 @!p0 $0x1082;
	s9 =	sld [smem:$0x3FB6]  }
0x2f: {  	lr =	sadd.s32 s0, s3;
	s0 =	sld [smem:$0x3FAD]  }
0x30: {  	s3 =	sld [smem:$0x3FB0]  }
0x31: {  	[smem:$0x3FB9] =	sst s10  }
0x32: {  	s10 =	sld [smem:$0x3FB7];
	_ =	sdelay $0x3  }
0x33: {  	p0 =	seq.s32 s10, $0x1;
	s10 =	sld [smem:$0x3FB9];
	_ =	sdelay $0x3  }
0x34: {  	[smem:$0x3FB9] =	sst s10  }
0x35: {  	s10 =	sld [smem:$0x3FB8];
	_ =	sdelay $0x3  }
0x36: {  	p1 =	seq.s32 s10, $0x1;
	s10 =	sld [smem:$0x3FB9];
	_ =	sdelay $0x3  }
0x37: {  	[smem:$0x3FB9] =	sst s10  }
0x38: {  	s10 =	sld [smem:$0x3FBA]  }
0x39: {  	_ = 	snop;
	(pc) =	sbr.ind lr, $3  }
0x3a: {  	_ = 	snop  }
0x3b: {  	_ = 	snop  }
0x3c: {  	p2 =	seq.s32 s10, $0x1;
	s10 =	sld [smem:$0x3FB9]  }
0x3d: {  	_ =	shalt  }
0x3e: {  	_ =	shalt  }
0x3f: {  	_ =	shalt  }
0x40: {  	_ =	shalt  }
0x41: {  	_ =	shalt  }
0x42: {  	_ =	shalt  }
0x43: {  	_ =	shalt  }
0x44: {  	_ =	shalt  }
0x45: {  	_ =	shalt  }
0x46: {  	_ =	shalt  }
0x47: {  	_ =	shalt  }
0x48: {  	_ =	shalt  }
0x49: {  	_ =	shalt  }
0x4a: {  	_ =	shalt  }
0x4b: {  	_ =	shalt  }
0x4c: {  	_ =	shalt  }
0x4d: {  	_ =	shalt  }
0x4e: {  	_ =	shalt  }
0x4f: {  	_ =	shalt  }
0x50: {  	_ =	shalt  }
0x51: {  	_ =	shalt  }
0x52: {  	_ =	shalt  }
0x53: {  	_ =	shalt  }
0x54: {  	_ =	shalt  }
0x55: {  	_ =	shalt  }
0x56: {  	_ =	shalt  }
0x57: {  	_ =	shalt  }
0x58: {  	_ =	shalt  }
0x59: {  	_ =	shalt  }
0x5a: {  	_ =	shalt  }
0x5b: {  	_ =	shalt  }
0x5c: {  	_ =	shalt  }
0x5d: {  	_ =	shalt  }
0x5e: {  	_ =	shalt  }
0x5f: {  	_ =	shalt  }
0x60: {  	_ =	shalt  }
0x61: {  	_ =	shalt  }
0x62: {  	_ =	shalt  }
0x63: {  	_ =	shalt  }
0x64: {  	_ =	shalt  }
0x65: {  	_ =	shalt  }
0x66: {  	_ =	shalt  }
0x67: {  	_ =	shalt  }
0x68: {  	_ =	shalt  }
0x69: {  	_ =	shalt  }
0x6a: {  	_ =	shalt  }
0x6b: {  	_ =	shalt  }
0x6c: {  	_ =	shalt  }
0x6d: {  	_ =	shalt  }
0x6e: {  	_ =	shalt  }
0x6f: {  	_ =	shalt  }
0x70: {  	_ =	shalt  }
0x71: {  	_ =	shalt  }
0x72: {  	_ =	shalt  }
0x73: {  	_ =	shalt  }
0x74: {  	_ =	shalt  }
0x75: {  	_ =	shalt  }
0x76: {  	_ =	shalt  }
0x77: {  	_ =	shalt  }
0x78: {  	_ =	shalt  }
0x79: {  	_ =	shalt  }
0x7a: {  	_ =	shalt  }
0x7b: {  	_ =	shalt  }
0x7c: {  	_ =	shalt  }
0x7d: {  	_ =	shalt  }
0x7e: {  	_ =	shalt  }
0x7f: {  	_ =	shalt  }
0x80: {  	_ =	shalt  }
0x81: {  	_ =	shalt  }
0x82: {  	_ =	shalt  }
0x83: {  	_ =	shalt  }
0x84: {  	_ =	shalt  }
0x85: {  	_ =	shalt  }
0x86: {  	_ =	shalt  }
0x87: {  	_ =	shalt  }
.Lfunc_end0:
.L_simem_size_0:
called_computation_lowered:
.L_overlay_start_0:
0x88: {  	s2 =	sld [smem:$0x3FD9]  }
0x89: {  	s3 =	sld [smem:$0x3FFE];
	_ =	sdelay $0x1  }
0x8a: {  	s1 =	srdreg.scid  }
0x8b: {  	s0 =	sand.u32 $0x1, s1  }
0x8c: {  	s17 =	sshll.u32 s0, $0xA;
	s2 =	sadd.s32 s3, s2  }
0x8d: {  	s2 =	sadd.s32 s2, s17  }
0x8e: {  	[smem:$0x3FC5] =	sst s2  }
0x8f: {  	_ = 	snop  }
0x90: {  	s18 =	sld [smem:$0x3FD0];
	(tm) =	ssettm $0x1  }
0x91: {  	s19 =	sld [smem:$0x3FFB];
	_ =	sdelay $0x3  }
0x92: {  	_ =	strace s19  }
0x93: {  	s2 =	sld [smem:$0x3FFC];
	_ =	sdelay $0x3  }
0x94: {  	_ =	strace s2  }
0x95: {  	s2 =	sld [smem:$0x3FFD];
	_ =	sdelay $0x3  }
0x96: {  	_ =	strace s2  }
0x97: {  	_ =	strace $0x8FFFFFFF  }
0x98: {  	s20 =	sld [smem:$0x3FDB];
	_ =	sdelay $0x1  }
0x99: {  	s4 =	simm.s32 $_scs_section_size  }
0x9a: {  	s5 =	simm.s32 $_size__tile_overlayer_lowered;
	s6 =	simm.s32 $_tile_overlayer_lowered  }
0x9b: {  	s7 =	simm.s32 $0x1BFF;
	s21 =	sshll.u32 s6, $0x1;
	s4 =	sadd.s32 s4, s20  }
0x9c: {  	s22 =	simm.s32 $0x0;
	s5 =	sshll.u32 s5, $0x1;
	s6 =	sadd.s32 s21, s4  }
0x9d: {  	[timem:s22], [sflag:s7] =	dma.local [hbm:s6], s5  }
0x9e: {  	_ =	swait.ge [sflag:s7], s5  }
0x9f: {  	s5 =	ssub.s32 $0x0, s5;
	[sflag:s7] =	ssyncset.done $0x0  }
0xa0: {  	[sflag:s7] =	ssyncadd.s32 s5;
	_ =	sdelay $0x1  }
0xa1: {  	s23 =	simm.s32 $0x1B8B  }
0xa2: {  	_ =	swait.ge [sflag:s23], $0x1  }
0xa3: {  	[sflag:s23] =	ssyncset.done $0x0  }
0xa4: {  	[sflag:s23] =	ssyncadd.s32 $0xFFFFFFFF  }
0xa5: {  	s5 =	sld [smem:$0x0]  }
0xa6: {  	s6 =	sand.u32 $0xFFFFFFFE, s1  }
0xa7: {  	p0 =	sne.s32 s1, s6  }
0xa8: {  	s6 =	sshll.u32 @p0 s6, $0xE  }
0xa9: {  	s6 =	sadd.s32 @p0 $0x11B8D, s6;
	s7 =	sshll.u32 @p0 s5, $0x11  }
0xaa: {  	s6 =	sor.u32 @p0 s7, s6  }
0xab: {  	[sflag:s6] =	ssyncadd.remote.s32 @p0 $0x1;
	_ =	sdelay $0x1  }
0xac: {  	s6 =	simm.s32 @p0 $0x1B8D  }
0xad: {  	_ =	swait.eq @p0 [sflag:s6], $0x1  }
0xae: {  	[sflag:s6] =	ssyncadd.s32 @p0 $0xFFFFFFFF  }
0xaf: {  	s7 =	sshll.u32 @!p0 s1, $0xE  }
0xb0: {  	s7 =	sor.u32 @!p0 $0x4000, s7;
	s6 =	simm.s32 @!p0 $0x1B8D  }
0xb1: {  	s5 =	sshll.u32 @!p0 s5, $0x11;
	s7 =	sadd.s32 @!p0 $0x11B8D, s7;
	_ =	swait.eq @!p0 [sflag:s6], $0x1  }
0xb2: {  	s5 =	sor.u32 @!p0 s5, s7;
	[sflag:s6] =	ssyncadd.s32 @!p0 $0xFFFFFFFF  }
0xb3: {  	s25 =	simm.s32 $0x1B8E;
	s24 =	sld [smem:$0x3FFE];
	[sflag:s5] =	ssyncadd.remote.s32 @!p0 $0x1  }
0xb4: {  	s26 =	simm.s32 $execute0_lowered;
	[smem:$0x3FD2] =	sst s25  }
0xb5: {  	s6 =	sshll.u32 s26, $0x1;
	_ =	strace $0x80000049;
	[dreg:$0x1] =	wrdreg $0xFFFFFFFF  }
0xb6: {  	s28 =	simm.s32 $_size_execute0_lowered;
	s4 =	sadd.s32 s4, s6;
	[dreg:$0x0] =	wrdreg $0x0  }
0xb7: {  	s6 =	sshll.u32 s28, $0x1;
	[dreg:$0x2] =	wrdreg s4  }
0xb8: {  	[dreg:$0x3] =	wrdreg s6  }
0xb9: {  	[dreg:$0x4] =	wrdreg $0xC0  }
0xba: {  	_ =	task [dreg:s22], $0x5FFFF  }
0xbb: {  	[dreg:$0x1] =	wrdreg $0xFFFFFFFF  }
0xbc: {  	[dreg:$0x0] =	wrdreg $0x60  }
0xbd: {  	[dreg:$0x2] =	wrdreg s24  }
0xbe: {  	[dreg:$0x3] =	wrdreg s18  }
0xbf: {  	[dreg:$0x4] =	wrdreg $0x9  }
0xc0: {  	_ =	task.clear_ibuf [dreg:s22], $0x5FFFF;
	_ =	strace $0x90000049  }
0xc1: {  	s29 =	simm.s32 $0x9;
	_ =	strace $0x8000004B  }
0xc2: {  	_ =	swait.ge [sflag:s29], $0x1  }
0xc3: {  	[sflag:s29] =	ssyncadd.s32 $0xFFFFFFFF  }
0xc4: {  	_ =	strace $0x9000004B  }
0xc5: {  	_ =	sfence  }
0xc6: {  	s30 =	sld [smem:$0x0];
	_ =	sdelay $0x2  }
0xc7: {  	s31 =	sshll.u32 s1, $0xD;
	s1 =	sshrl.u32 s1, $0x2  }
0xc8: {  	s4 =	sand.u32 $0x4000, s31;
	s1 =	sadd.s32 s1, s30  }
0xc9: {  	s0 =	sor.u32 s4, s0;
	s1 =	sshll.u32 s1, $0x11  }
0xca: {  	s0 =	sor.u32 s1, s0  }
0xcb: {  	s0 =	sadd.s32 $0x8F2B, s0  }
0xcc: {  	[sflag:s0] =	ssyncadd.remote.s32 $0x1  }
0xcd: {  	_ =	sfence.sel $0xFFFF  }
0xce: {  	[dreg:$0x0] =	wrdreg $0xFFFFFFFF;
	(pc) =	sbr.abs _section_cstart, $3  }
0xcf: {  	[dreg:$0x1] =	wrdreg $0xFFFFFFFF  }
0xd0: {  	_ =	task.clear_ibuf [dreg:s22], $0x2FFFF;
	_ =	strace $0x9FFFFFFF  }
0xd1: {  	(tm) =	ssettm $0x7FFFFFFF  }
tec
execute0_lowered:
.L_overlay_start_1:
0x0: {  	(tag) =	ssettag $0x1  }
0x1: {  	s4 =	rddreg [dreg:$0x0]  }
0x2: {  	s5 =	rddreg [dreg:$0x1]  }
0x3: {  	s0 =	rddreg [dreg:$0x2];
	s2 =	simm.s32 $0x0;
	s3 =	srdreg.scid  }
0x4: {  	s1 =	stileid.u32;
	s11 =	simm.s32 $0x1000;
	s12 =	simm.s32 $0x2000  }
0x5: {  	s13 =	simm.s32 $0x1;
	s14 =	simm.s32 $0x20;
	s15 =	simm.s32 $0x2  }
0x6: {  	s16 =	simm.s32 $0x3;
	s17 =	simm.s32 $0x4;
	s18 =	simm.s32 $0x0  }
0x7: {  	[smem:$0x7FF] =	sst s2;
	s7 =	sand.u32 $0x1, s3;
	s6 =	sshll.u32 s1, $0xD  }
0x8: {  	s3 =	sadd.s32 $0x6400, s4;
	s25 =	sadd.s32 $0x266800, s4;
	s30 =	sshll.u32 s1, $0x11  }
0x9: {  	_ =	strace $0x8000004A;
	s8 =	sshll.u32 s7, $0xC;
	s9 =	ssub.s32 $0x2, s7  }
0xa: {  	s31 =	sshll.u32 s7, $0x10;
	s6 =	sor.u32 s8, s6;
	s26 =	sshrl.u32 s9, $0x1  }
0xb: {  	s8 =	sadd.s32 s30, s25;
	s10 =	sshrl.u32 s6, $0x3;
	s9 =	ssub.s32 s9, s26  }
0xc: {  	s28 =	sshll.u32 s6, $0x4;
	s8 =	sadd.s32 s31, s8;
	s4 =	sadd.s32 s5, s10  }
0xd: {  	s29 =	sadd.s32 s25, s28;
	s5 =	smax.u32 s9, $0x1;
	s9 =	simm.s32 $0x5  }
0xe: {  	s10 =	simm.s32 $0x80;
	s6 =	sadd.s32 $0xF000, s29;
	s7 =	sadd.s32 $0xF800, s29  }
.LBB2_1:
0xf: {  	[tilespmem:s2], [sflag:$0x5] =	stream.linear.gather [hbm4b:s4+s2], $0x1000, $0x38;
	[tilespmem:$0x3000] =	vst v63  }
0x10: {  	_ =	swait.ge [sflag:s9], $0x1000  }
0x11: {  	[sflag:s9] =	ssyncset.done $0x0  }
0x12: {  	[sflag:s9] =	ssyncadd.s32 $0xFFFFF000  }
0x13: {  	[tilespmem:s11], [sflag:$0x1] =	stream.indirect.gather [hbm4b:s3+s10], $0x20, s2, s10, $0xb8;
	[tilespmem:$0x3000] =	vst v63  }
0x14: {  	_ = 	snop  }
0x15: {  	[tilespmem:s12], [sflag:$0x2] =	stream.indirect.gather [hbm4b:s3+s10], $0x20, s10, s10, $0xb8;
	[tilespmem:$0x3000] =	vst v63  }
0x16: {  	_ =	swait.ge [sflag:s13], $0x1000  }
0x17: {  	[sflag:s13] =	ssyncset.done $0x0  }
0x18: {  	s19 =	sadd.s32 $0x0, s8;
	[sflag:s13] =	ssyncadd.s32 $0xFFFFF000  }
0x19: {  	[hbm4b:s19+s14] =	stream.strided.scatter [tilespmem:s11], [sflag:$0x3], $0x1000, s10, s14, $0x38;
	[tilespmem:$0x3000] =	vst v63  }
0x1a: {  	_ =	swait.ge [sflag:s15], $0x1000  }
0x1b: {  	[sflag:s15] =	ssyncset.done $0x0  }
0x1c: {  	s19 =	sadd.s32 $0x800, s19;
	[sflag:s15] =	ssyncadd.s32 $0xFFFFF000  }
0x1d: {  	[hbm4b:s19+s14] =	stream.strided.scatter [tilespmem:s12], [sflag:$0x4], $0x1000, s10, s14, $0x38;
	[tilespmem:$0x3000] =	vst v63  }
0x1e: {  	_ =	swait.ge [sflag:s16], $0x1000  }
0x1f: {  	[sflag:s16] =	ssyncset.done $0x0  }
0x20: {  	s31 =	simm.s32 $0x100;
	[sflag:s16] =	ssyncadd.s32 $0xFFFFF000  }
0x21: {  	[tilespmem:s11], [sflag:$0x1] =	stream.indirect.gather [hbm4b:s3+s10], $0x20, s31, s10, $0xb8;
	[tilespmem:$0x3000] =	vst v63  }
0x22: {  	_ =	swait.ge [sflag:s17], $0x1000  }
0x23: {  	s20 =	simm.s32 $0x1000;
	[sflag:s17] =	ssyncset.done $0x0  }
0x24: {  	s21 =	simm.s32 $0x280;
	s19 =	simm.s32 $0x180;
	[sflag:s17] =	ssyncadd.s32 $0xFFFFF000  }
.LBB2_2:
0x25: {  	[tilespmem:s12], [sflag:$0x2] =	stream.indirect.gather [hbm4b:s3+s10], $0x20, s19, s10, $0xb8;
	[tilespmem:$0x3000] =	vst v63  }
0x26: {  	s22 =	smov.u32 s20;
	s19 =	smov.u32 s21  }
0x27: {  	p0 =	sne.s32 s20, $0xE000;
	s20 =	sadd.s32 $0x1000, s20;
	_ =	swait.ge [sflag:s13], $0x1000  }
0x28: {  	[sflag:s13] =	ssyncset.done $0x0  }
0x29: {  	s22 =	sadd.s32 s22, s8;
	[sflag:s13] =	ssyncadd.s32 $0xFFFFF000  }
0x2a: {  	[hbm4b:s22+s14] =	stream.strided.scatter [tilespmem:s11], [sflag:$0x3], $0x1000, s10, s14, $0x38;
	[tilespmem:$0x3000] =	vst v63  }
0x2b: {  	_ =	swait.ge [sflag:s15], $0x1000  }
0x2c: {  	[sflag:s15] =	ssyncset.done $0x0  }
0x2d: {  	s22 =	sadd.s32 $0x800, s22;
	[sflag:s15] =	ssyncadd.s32 $0xFFFFF000  }
0x2e: {  	[hbm4b:s22+s14] =	stream.strided.scatter [tilespmem:s12], [sflag:$0x4], $0x1000, s10, s14, $0x38;
	[tilespmem:$0x3000] =	vst v63  }
0x2f: {  	_ =	swait.ge [sflag:s16], $0x1000  }
0x30: {  	[sflag:s16] =	ssyncset.done $0x0  }
.Ltmp0:
0x31: {  	s22 =	sadd.s32 $0xFFFFFF80, s21;
	[sflag:s16] =	ssyncadd.s32 $0xFFFFF000;
	(pc) =	sbr.rel @p0 .LBB2_2-.Ltmp0, $4  }
0x32: {  	[tilespmem:s11], [sflag:$0x1] =	stream.indirect.gather [hbm4b:s3+s10], $0x20, s22, s10, $0xb8;
	[tilespmem:$0x3000] =	vst v63  }
0x33: {  	_ =	swait.ge [sflag:s17], $0x1000  }
0x34: {  	[sflag:s17] =	ssyncset.done $0x0  }
0x35: {  	s21 =	sadd.s32 $0x100, s21;
	[sflag:s17] =	ssyncadd.s32 $0xFFFFF000  }
0x36: {  	[tilespmem:s12], [sflag:$0x2] =	stream.indirect.gather [hbm4b:s3+s10], $0x20, s19, s10, $0xb8;
	[tilespmem:$0x3000] =	vst v63  }
0x37: {  	_ =	swait.ge [sflag:s13], $0x1000  }
0x38: {  	[sflag:s13] =	ssyncset.done $0x0  }
0x39: {  	[sflag:s13] =	ssyncadd.s32 $0xFFFFF000  }
0x3a: {  	[hbm4b:s6+s14] =	stream.strided.scatter [tilespmem:s11], [sflag:$0x3], $0x1000, s10, s14, $0x38;
	[tilespmem:$0x3000] =	vst v63  }
0x3b: {  	_ =	swait.ge [sflag:s15], $0x1000  }
0x3c: {  	[sflag:s15] =	ssyncset.done $0x0  }
0x3d: {  	s18 =	sadd.s32 $0x1, s18;
	[sflag:s15] =	ssyncadd.s32 $0xFFFFF000  }
0x3e: {  	[hbm4b:s7+s14] =	stream.strided.scatter [tilespmem:s12], [sflag:$0x4], $0x1000, s10, s14, $0x38;
	[tilespmem:$0x3000] =	vst v63  }
0x3f: {  	p0 =	sne.s32 s18, s5;
	_ =	swait.ge [sflag:s16], $0x1000  }
.Ltmp1:
0x40: {  	[sflag:s16] =	ssyncset.done $0x0;
	(pc) =	sbr.rel @p0 .LBB2_1-.Ltmp1, $4  }
0x41: {  	[sflag:s16] =	ssyncadd.s32 $0xFFFFF000  }
0x42: {  	_ =	swait.ge [sflag:s17], $0x1000  }
0x43: {  	[sflag:s17] =	ssyncset.done $0x0  }
0x44: {  	[sflag:s17] =	ssyncadd.s32 $0xFFFFF000  }
0x45: {  	_ =	sfence.sel $0x180000  }
0x46: {  	[bflag:$0x0] =	sbarrier.arrive $0xFFFF  }
0x47: {  	p0 =	sne.s32 s1, $0x0;
	_ =	strace $0x9000004A  }
0x48: {  	s0 =	sadd.s32 @!p0 $0x100000, s0;
	[bflag:$0x2] =	sbarrier.arrive $0xFFFF  }
0x49: {  	[sflag:s0] =	ssyncadd.tile.s32 @!p0 $0x1;
	_ =	shalt  }
.Lfunc_end2:
_tile_overlayer_lowered:
.L_overlay_start_2:
0x4a: {  	(tag) =	ssettag $0x2  }
0x4b: {  	s0 =	rddreg [dreg:$0x0];
	s2 =	stileid.u32  }
0x4c: {  	s1 =	rddreg [dreg:$0x1];
	p0 =	sne.s32 s2, $0x0  }
0x4d: {  	s3 =	rddreg [dreg:$0x2];
	[bflag:$0x3] =	sbarrier.arrive $0xFFFF;
	s2 =	simm.s32 @!p0 $0x1C05  }
0x4e: {  	[timem:s3], [sflag:s2] =	dma.local @!p0 [hbm:s0], s1  }
0x4f: {  	s0 =	simm.s32 @!p0 $0x5  }
0x50: {  	_ =	swait.ge @!p0 [sflag:s0], s1  }
0x51: {  	s1 =	ssub.s32 @!p0 $0x0, s1;
	[sflag:s0] =	ssyncset.done @!p0 $0x0  }
0x52: {  	[sflag:s0] =	ssyncadd.s32 @!p0 s1  }
0x53: {  	[bflag:$0x3] =	sbarrier.arrive $0xFFFF  }
0x54: {  	_ =	shalt  }

// kernel: kernel.9.cloned.1.call-start
scs
__scs_entry_jumppad:
0x0: {  	(pc) =	sbr.rel $0x88, $3  }
0x1: {  	(tag) =	ssettag $0x0;
	lr =	simm.s32 $0x1  }
0x2: {  	[smem:$0x3F9E] =	sst lr;
	_ =	strace $0xD0000000  }
0x3: {  	_ = 	snop  }
0x4: {  	_ = 	snop  }
0x5: {  	_ = 	snop  }
0x6: {  	_ = 	snop  }
0x7: {  	_ = 	snop  }
__scs_overlays_trampoline_lowered:
0x8: {  	[smem:$0x3FAD] =	sst s0  }
0x9: {  	[smem:$0x3FAE] =	sst s1  }
0xa: {  	[smem:$0x3FAF] =	sst s2  }
0xb: {  	[smem:$0x3FB0] =	sst s3  }
0xc: {  	[smem:$0x3FB1] =	sst s4  }
0xd: {  	[smem:$0x3FB2] =	sst s5  }
0xe: {  	[smem:$0x3FB3] =	sst s6  }
0xf: {  	[smem:$0x3FB4] =	sst s7  }
0x10: {  	[smem:$0x3FB5] =	sst s8  }
0x11: {  	[smem:$0x3FB6] =	sst s9;
	s0 =	simm.s32 @!p0 $0x0  }
0x12: {  	s1 =	sld [smem:$0x3F9C];
	s0 =	simm.s32 @p0 $0x1  }
0x13: {  	[smem:$0x3FB7] =	sst s0;
	s0 =	simm.s32 @!p1 $0x0  }
0x14: {  	s2 =	sld [smem:$0x3F9B];
	s0 =	simm.s32 @p1 $0x1  }
0x15: {  	[smem:$0x3FB8] =	sst s0;
	s0 =	simm.s32 @!p2 $0x0  }
0x16: {  	s3 =	sld [smem:$0x3FDB];
	s0 =	simm.s32 @p2 $0x1  }
0x17: {  	s4 =	simm.s32 $0x1BF5;
	[smem:$0x3FBA] =	sst s0  }
0x18: {  	s0 =	sld [smem:$0x3F9D];
	_ =	swait.ge [sflag:s4], $0x0  }
0x19: {  	s7 =	sld [smem:$0x3F9E]  }
0x1a: {  	s8 =	sadd.s32 $0xFFFFE003, lr  }
0x1b: {  	s9 =	sadd.s32 $0xFFFFFEF7, lr;
	s5 =	simm.s32 $0xFFFFFFFF;
	p2 =	slt.u32 s8, $0xFFFFF086  }
0x1c: {  	p1 =	slt.u32 s9, $0xF7A;
	s5 =	simm.s32 @!p2 $0x0  }
0x1d: {  	s5 =	simm.s32 @p1 $0x1;
	p0 =	seq.s32 s7, s2  }
0x1e: {  	s7 =	smul.u32 @!p0 $0xF7A, s2;
	p2 =	seq.s32 @!p0 s5, $0x0  }
0x1f: {  	s9 =	smul.u32 $0xF7A, s1;
	s8 =	simm.s32 @!p0 $0x1BF5;
	p2 =	por !p2, p0  }
0x20: {  	[sflag:s8] =	ssyncset.s32 @!p0 $0xFFFFF086;
	s6 =	sadd.s32 @!p0 s3, s7;
	s7 =	simm.s32 @!p0 $0x108  }
0x21: {  	s3 =	sadd.s32 s3, s9;
	s6 =	sadd.s32 @!p0 $0x88, s6;
	s7 =	simm.s32 @p2 $0x1082  }
0x22: {  	[simem:s7], [sflag:s8] =	dma.local @!p0 [hbm:s6], $0xF7A  }
0x23: {  	s9 =	sor.u32 $0xD0000000, s2;
	s6 =	simm.s32 $0x108;
	_ =	swait.ge @!p0 [sflag:s8], $0x0  }
0x24: {  	s3 =	sadd.s32 $0x88, s3;
	s6 =	simm.s32 @!p1 $0x1082;
	[sflag:s4] =	ssyncset.s32 $0xFFFFF086  }
0x25: {  	[simem:s6], [sflag:s4] =	dma.local [hbm:s3], $0xF7A  }
0x26: {  	[smem:$0x3F9E] =	sst s1;
	(tag) =	ssettag s2;
	_ =	strace s9  }
0x27: {  	s1 =	sld [smem:$0x3FAE]  }
0x28: {  	s2 =	sld [smem:$0x3FAF]  }
0x29: {  	s4 =	sld [smem:$0x3FB1]  }
0x2a: {  	p0 =	seq.s32 s5, $0x0;
	s5 =	sld [smem:$0x3FB2]  }
0x2b: {  	s6 =	sld [smem:$0x3FB3]  }
0x2c: {  	s7 =	sld [smem:$0x3FB4]  }
0x2d: {  	s3 =	simm.s32 $0x108;
	s8 =	sld [smem:$0x3FB5]  }
0x2e: {  	s3 =	simm.s32 @!p0 $0x1082;
	s9 =	sld [smem:$0x3FB6]  }
0x2f: {  	lr =	sadd.s32 s0, s3;
	s0 =	sld [smem:$0x3FAD]  }
0x30: {  	s3 =	sld [smem:$0x3FB0]  }
0x31: {  	[smem:$0x3FB9] =	sst s10  }
0x32: {  	s10 =	sld [smem:$0x3FB7];
	_ =	sdelay $0x3  }
0x33: {  	p0 =	seq.s32 s10, $0x1;
	s10 =	sld [smem:$0x3FB9];
	_ =	sdelay $0x3  }
0x34: {  	[smem:$0x3FB9] =	sst s10  }
0x35: {  	s10 =	sld [smem:$0x3FB8];
	_ =	sdelay $0x3  }
0x36: {  	p1 =	seq.s32 s10, $0x1;
	s10 =	sld [smem:$0x3FB9];
	_ =	sdelay $0x3  }
0x37: {  	[smem:$0x3FB9] =	sst s10  }
0x38: {  	s10 =	sld [smem:$0x3FBA]  }
0x39: {  	_ = 	snop;
	(pc) =	sbr.ind lr, $3  }
0x3a: {  	_ = 	snop  }
0x3b: {  	_ = 	snop  }
0x3c: {  	p2 =	seq.s32 s10, $0x1;
	s10 =	sld [smem:$0x3FB9]  }
0x3d: {  	_ =	shalt  }
0x3e: {  	_ =	shalt  }
0x3f: {  	_ =	shalt  }
0x40: {  	_ =	shalt  }
0x41: {  	_ =	shalt  }
0x42: {  	_ =	shalt  }
0x43: {  	_ =	shalt  }
0x44: {  	_ =	shalt  }
0x45: {  	_ =	shalt  }
0x46: {  	_ =	shalt  }
0x47: {  	_ =	shalt  }
0x48: {  	_ =	shalt  }
0x49: {  	_ =	shalt  }
0x4a: {  	_ =	shalt  }
0x4b: {  	_ =	shalt  }
0x4c: {  	_ =	shalt  }
0x4d: {  	_ =	shalt  }
0x4e: {  	_ =	shalt  }
0x4f: {  	_ =	shalt  }
0x50: {  	_ =	shalt  }
0x51: {  	_ =	shalt  }
0x52: {  	_ =	shalt  }
0x53: {  	_ =	shalt  }
0x54: {  	_ =	shalt  }
0x55: {  	_ =	shalt  }
0x56: {  	_ =	shalt  }
0x57: {  	_ =	shalt  }
0x58: {  	_ =	shalt  }
0x59: {  	_ =	shalt  }
0x5a: {  	_ =	shalt  }
0x5b: {  	_ =	shalt  }
0x5c: {  	_ =	shalt  }
0x5d: {  	_ =	shalt  }
0x5e: {  	_ =	shalt  }
0x5f: {  	_ =	shalt  }
0x60: {  	_ =	shalt  }
0x61: {  	_ =	shalt  }
0x62: {  	_ =	shalt  }
0x63: {  	_ =	shalt  }
0x64: {  	_ =	shalt  }
0x65: {  	_ =	shalt  }
0x66: {  	_ =	shalt  }
0x67: {  	_ =	shalt  }
0x68: {  	_ =	shalt  }
0x69: {  	_ =	shalt  }
0x6a: {  	_ =	shalt  }
0x6b: {  	_ =	shalt  }
0x6c: {  	_ =	shalt  }
0x6d: {  	_ =	shalt  }
0x6e: {  	_ =	shalt  }
0x6f: {  	_ =	shalt  }
0x70: {  	_ =	shalt  }
0x71: {  	_ =	shalt  }
0x72: {  	_ =	shalt  }
0x73: {  	_ =	shalt  }
0x74: {  	_ =	shalt  }
0x75: {  	_ =	shalt  }
0x76: {  	_ =	shalt  }
0x77: {  	_ =	shalt  }
0x78: {  	_ =	shalt  }
0x79: {  	_ =	shalt  }
0x7a: {  	_ =	shalt  }
0x7b: {  	_ =	shalt  }
0x7c: {  	_ =	shalt  }
0x7d: {  	_ =	shalt  }
0x7e: {  	_ =	shalt  }
0x7f: {  	_ =	shalt  }
0x80: {  	_ =	shalt  }
0x81: {  	_ =	shalt  }
0x82: {  	_ =	shalt  }
0x83: {  	_ =	shalt  }
0x84: {  	_ =	shalt  }
0x85: {  	_ =	shalt  }
0x86: {  	_ =	shalt  }
0x87: {  	_ =	shalt  }
.Lfunc_end0:
.L_simem_size_0:
called_computation.1_lowered:
.L_overlay_start_0:
0x88: {  	s2 =	sld [smem:$0x3FD9]  }
0x89: {  	s3 =	sld [smem:$0x3FFE];
	_ =	sdelay $0x1  }
0x8a: {  	s1 =	srdreg.scid  }
0x8b: {  	s0 =	sand.u32 $0x1, s1  }
0x8c: {  	s16 =	sshll.u32 s0, $0xA;
	s2 =	sadd.s32 s3, s2  }
0x8d: {  	s2 =	sadd.s32 s2, s16  }
0x8e: {  	[smem:$0x3FC5] =	sst s2  }
0x8f: {  	_ = 	snop  }
0x90: {  	(tm) =	ssettm $0x1  }
0x91: {  	s17 =	sld [smem:$0x3FFB];
	_ =	sdelay $0x3  }
0x92: {  	_ =	strace s17  }
0x93: {  	s2 =	sld [smem:$0x3FFC];
	_ =	sdelay $0x3  }
0x94: {  	_ =	strace s2  }
0x95: {  	s2 =	sld [smem:$0x3FFD];
	_ =	sdelay $0x3  }
0x96: {  	_ =	strace s2  }
0x97: {  	_ =	strace $0x8FFFFFFF  }
0x98: {  	s18 =	sld [smem:$0x3FDB];
	_ =	sdelay $0x1  }
0x99: {  	s19 =	simm.s32 $_scs_section_size  }
0x9a: {  	s4 =	simm.s32 $_size__tile_overlayer_lowered;
	s5 =	simm.s32 $_tile_overlayer_lowered  }
0x9b: {  	s22 =	simm.s32 $0x1BFF;
	s21 =	sshll.u32 s5, $0x1;
	s2 =	sadd.s32 s19, s18  }
0x9c: {  	s6 =	simm.s32 $0x0;
	s20 =	sshll.u32 s4, $0x1;
	s4 =	sadd.s32 s21, s2  }
0x9d: {  	[timem:s6], [sflag:s22] =	dma.local [hbm:s4], s20  }
0x9e: {  	_ =	swait.ge [sflag:s22], s20  }
0x9f: {  	s3 =	ssub.s32 $0x0, s20;
	[sflag:s22] =	ssyncset.done $0x0  }
0xa0: {  	[sflag:s22] =	ssyncadd.s32 s3;
	_ =	sdelay $0x1  }
0xa1: {  	s23 =	simm.s32 $0x1B8B  }
0xa2: {  	_ =	swait.ge [sflag:s23], $0x1  }
0xa3: {  	[sflag:s23] =	ssyncset.done $0x0  }
0xa4: {  	s25 =	simm.s32 $0x1B8E;
	s24 =	sld [smem:$0x3FFE];
	[sflag:s23] =	ssyncadd.s32 $0xFFFFFFFF  }
0xa5: {  	s26 =	simm.s32 $execute0_lowered;
	[smem:$0x3FD2] =	sst s25  }
0xa6: {  	s4 =	sshll.u32 s26, $0x1;
	_ =	strace $0x80000046;
	[dreg:$0x1] =	wrdreg $0xFFFFFFFF  }
0xa7: {  	s28 =	simm.s32 $_size_execute0_lowered;
	s2 =	sadd.s32 s2, s4;
	[dreg:$0x0] =	wrdreg $0x0  }
0xa8: {  	s4 =	sshll.u32 s28, $0x1;
	[dreg:$0x2] =	wrdreg s2  }
0xa9: {  	[dreg:$0x3] =	wrdreg s4  }
0xaa: {  	[dreg:$0x4] =	wrdreg $0xC0  }
0xab: {  	_ =	task [dreg:s6], $0x5FFFF  }
0xac: {  	[dreg:$0x1] =	wrdreg $0xFFFFFFFF  }
0xad: {  	[dreg:$0x0] =	wrdreg $0x60  }
0xae: {  	[dreg:$0x2] =	wrdreg s24  }
0xaf: {  	[dreg:$0x3] =	wrdreg $0xA  }
0xb0: {  	_ =	task.clear_ibuf [dreg:s6], $0x4FFFF;
	_ =	strace $0x90000046  }
0xb1: {  	s29 =	simm.s32 $0xA;
	_ =	strace $0x80000048  }
0xb2: {  	_ =	swait.ge [sflag:s29], $0x1  }
0xb3: {  	[sflag:s29] =	ssyncadd.s32 $0xFFFFFFFF  }
0xb4: {  	_ =	strace $0x90000048  }
0xb5: {  	_ =	sfence  }
0xb6: {  	s30 =	sld [smem:$0x0];
	_ =	sdelay $0x2  }
0xb7: {  	s31 =	sshll.u32 s1, $0xD;
	s1 =	sshrl.u32 s1, $0x2  }
0xb8: {  	s3 =	sand.u32 $0x4000, s31;
	s1 =	sadd.s32 s1, s30  }
0xb9: {  	s0 =	sor.u32 s3, s0;
	s1 =	sshll.u32 s1, $0x11  }
0xba: {  	s0 =	sor.u32 s1, s0  }
0xbb: {  	s0 =	sadd.s32 $0x8F2B, s0  }
0xbc: {  	[sflag:s0] =	ssyncadd.remote.s32 $0x1  }
0xbd: {  	_ =	sfence.sel $0xFFFF  }
0xbe: {  	[dreg:$0x0] =	wrdreg $0xFFFFFFFF;
	(pc) =	sbr.abs _section_cstart, $3  }
0xbf: {  	[dreg:$0x1] =	wrdreg $0xFFFFFFFF  }
0xc0: {  	_ =	task.clear_ibuf [dreg:s6], $0x2FFFF;
	_ =	strace $0x9FFFFFFF  }
0xc1: {  	(tm) =	ssettm $0x7FFFFFFF  }
tec
execute0_lowered:
.L_overlay_start_1:
0x0: {  	(tag) =	ssettag $0x1  }
0x1: {  	s4 =	rddreg [dreg:$0x0]  }
0x2: {  	s0 =	rddreg [dreg:$0x1]  }
0x3: {  	s3 =	srdreg.scid;
	s2 =	simm.s32 $0x0;
	s1 =	stileid.u32  }
0x4: {  	s11 =	simm.s32 $0x1000;
	s12 =	simm.s32 $0x2000;
	s13 =	simm.s32 $0x1  }
0x5: {  	s14 =	simm.s32 $0x20;
	s15 =	simm.s32 $0x2;
	s16 =	simm.s32 $0x3  }
0x6: {  	s17 =	simm.s32 $0x4;
	s18 =	simm.s32 $0x0;
	s7 =	sand.u32 $0x1, s3  }
0x7: {  	[smem:$0x7FF] =	sst s2;
	s28 =	sshll.u32 s1, $0xD;
	s3 =	sadd.s32 $0x52600, s4  }
0x8: {  	s9 =	sadd.s32 $0x66800, s4;
	s30 =	sshll.u32 s1, $0x11;
	s5 =	sshll.u32 s7, $0xC  }
0x9: {  	_ =	strace $0x80000047;
	s8 =	ssub.s32 $0x2, s7;
	s5 =	sor.u32 s5, s28  }
0xa: {  	s31 =	sshll.u32 s7, $0x10;
	s29 =	sshrl.u32 s8, $0x1;
	s6 =	sshrl.u32 s5, $0x3  }
0xb: {  	s8 =	ssub.s32 s8, s29;
	s5 =	sshll.u32 s5, $0x4;
	s6 =	sadd.s32 s6, s4  }
0xc: {  	s10 =	sadd.s32 s9, s5;
	s5 =	smax.u32 s8, $0x1;
	s8 =	sadd.s32 s30, s9  }
0xd: {  	s9 =	simm.s32 $0x5;
	s4 =	sadd.s32 $0x2400, s6;
	s6 =	sadd.s32 $0xF000, s10  }
0xe: {  	s7 =	sadd.s32 $0xF800, s10;
	s8 =	sadd.s32 s31, s8;
	s10 =	simm.s32 $0x80  }
.LBB2_1:
0xf: {  	[tilespmem:s2], [sflag:$0x5] =	stream.linear.gather [hbm4b:s4+s2], $0x1000, $0x38;
	[tilespmem:$0x3000] =	vst v63  }
0x10: {  	_ =	swait.ge [sflag:s9], $0x1000  }
0x11: {  	[sflag:s9] =	ssyncset.done $0x0  }
0x12: {  	[sflag:s9] =	ssyncadd.s32 $0xFFFFF000  }
0x13: {  	[tilespmem:s11], [sflag:$0x1] =	stream.indirect.gather [hbm4b:s3+s10], $0x20, s2, s10, $0xb8;
	[tilespmem:$0x3000] =	vst v63  }
0x14: {  	_ = 	snop  }
0x15: {  	[tilespmem:s12], [sflag:$0x2] =	stream.indirect.gather [hbm4b:s3+s10], $0x20, s10, s10, $0xb8;
	[tilespmem:$0x3000] =	vst v63  }
0x16: {  	_ =	swait.ge [sflag:s13], $0x1000  }
0x17: {  	[sflag:s13] =	ssyncset.done $0x0  }
0x18: {  	s19 =	sadd.s32 $0x0, s8;
	[sflag:s13] =	ssyncadd.s32 $0xFFFFF000  }
0x19: {  	[hbm4b:s19+s14] =	stream.strided.scatter [tilespmem:s11], [sflag:$0x3], $0x1000, s10, s14, $0x38;
	[tilespmem:$0x3000] =	vst v63  }
0x1a: {  	_ =	swait.ge [sflag:s15], $0x1000  }
0x1b: {  	[sflag:s15] =	ssyncset.done $0x0  }
0x1c: {  	s19 =	sadd.s32 $0x800, s19;
	[sflag:s15] =	ssyncadd.s32 $0xFFFFF000  }
0x1d: {  	[hbm4b:s19+s14] =	stream.strided.scatter [tilespmem:s12], [sflag:$0x4], $0x1000, s10, s14, $0x38;
	[tilespmem:$0x3000] =	vst v63  }
0x1e: {  	_ =	swait.ge [sflag:s16], $0x1000  }
0x1f: {  	[sflag:s16] =	ssyncset.done $0x0  }
0x20: {  	s31 =	simm.s32 $0x100;
	[sflag:s16] =	ssyncadd.s32 $0xFFFFF000  }
0x21: {  	[tilespmem:s11], [sflag:$0x1] =	stream.indirect.gather [hbm4b:s3+s10], $0x20, s31, s10, $0xb8;
	[tilespmem:$0x3000] =	vst v63  }
0x22: {  	_ =	swait.ge [sflag:s17], $0x1000  }
0x23: {  	s20 =	simm.s32 $0x1000;
	[sflag:s17] =	ssyncset.done $0x0  }
0x24: {  	s21 =	simm.s32 $0x280;
	s19 =	simm.s32 $0x180;
	[sflag:s17] =	ssyncadd.s32 $0xFFFFF000  }
.LBB2_2:
0x25: {  	[tilespmem:s12], [sflag:$0x2] =	stream.indirect.gather [hbm4b:s3+s10], $0x20, s19, s10, $0xb8;
	[tilespmem:$0x3000] =	vst v63  }
0x26: {  	s22 =	smov.u32 s20;
	s19 =	smov.u32 s21  }
0x27: {  	p0 =	sne.s32 s20, $0xE000;
	s20 =	sadd.s32 $0x1000, s20;
	_ =	swait.ge [sflag:s13], $0x1000  }
0x28: {  	[sflag:s13] =	ssyncset.done $0x0  }
0x29: {  	s22 =	sadd.s32 s22, s8;
	[sflag:s13] =	ssyncadd.s32 $0xFFFFF000  }
0x2a: {  	[hbm4b:s22+s14] =	stream.strided.scatter [tilespmem:s11], [sflag:$0x3], $0x1000, s10, s14, $0x38;
	[tilespmem:$0x3000] =	vst v63  }
0x2b: {  	_ =	swait.ge [sflag:s15], $0x1000  }
0x2c: {  	[sflag:s15] =	ssyncset.done $0x0  }
0x2d: {  	s22 =	sadd.s32 $0x800, s22;
	[sflag:s15] =	ssyncadd.s32 $0xFFFFF000  }
0x2e: {  	[hbm4b:s22+s14] =	stream.strided.scatter [tilespmem:s12], [sflag:$0x4], $0x1000, s10, s14, $0x38;
	[tilespmem:$0x3000] =	vst v63  }
0x2f: {  	_ =	swait.ge [sflag:s16], $0x1000  }
0x30: {  	[sflag:s16] =	ssyncset.done $0x0  }
.Ltmp0:
0x31: {  	s22 =	sadd.s32 $0xFFFFFF80, s21;
	[sflag:s16] =	ssyncadd.s32 $0xFFFFF000;
	(pc) =	sbr.rel @p0 .LBB2_2-.Ltmp0, $4  }
0x32: {  	[tilespmem:s11], [sflag:$0x1] =	stream.indirect.gather [hbm4b:s3+s10], $0x20, s22, s10, $0xb8;
	[tilespmem:$0x3000] =	vst v63  }
0x33: {  	_ =	swait.ge [sflag:s17], $0x1000  }
0x34: {  	[sflag:s17] =	ssyncset.done $0x0  }
0x35: {  	s21 =	sadd.s32 $0x100, s21;
	[sflag:s17] =	ssyncadd.s32 $0xFFFFF000  }
0x36: {  	[tilespmem:s12], [sflag:$0x2] =	stream.indirect.gather [hbm4b:s3+s10], $0x20, s19, s10, $0xb8;
	[tilespmem:$0x3000] =	vst v63  }
0x37: {  	_ =	swait.ge [sflag:s13], $0x1000  }
0x38: {  	[sflag:s13] =	ssyncset.done $0x0  }
0x39: {  	[sflag:s13] =	ssyncadd.s32 $0xFFFFF000  }
0x3a: {  	[hbm4b:s6+s14] =	stream.strided.scatter [tilespmem:s11], [sflag:$0x3], $0x1000, s10, s14, $0x38;
	[tilespmem:$0x3000] =	vst v63  }
0x3b: {  	_ =	swait.ge [sflag:s15], $0x1000  }
0x3c: {  	[sflag:s15] =	ssyncset.done $0x0  }
0x3d: {  	s18 =	sadd.s32 $0x1, s18;
	[sflag:s15] =	ssyncadd.s32 $0xFFFFF000  }
0x3e: {  	[hbm4b:s7+s14] =	stream.strided.scatter [tilespmem:s12], [sflag:$0x4], $0x1000, s10, s14, $0x38;
	[tilespmem:$0x3000] =	vst v63  }
0x3f: {  	p0 =	sne.s32 s18, s5;
	_ =	swait.ge [sflag:s16], $0x1000  }
.Ltmp1:
0x40: {  	[sflag:s16] =	ssyncset.done $0x0;
	(pc) =	sbr.rel @p0 .LBB2_1-.Ltmp1, $4  }
0x41: {  	[sflag:s16] =	ssyncadd.s32 $0xFFFFF000  }
0x42: {  	_ =	swait.ge [sflag:s17], $0x1000  }
0x43: {  	[sflag:s17] =	ssyncset.done $0x0  }
0x44: {  	[sflag:s17] =	ssyncadd.s32 $0xFFFFF000  }
0x45: {  	_ =	sfence.sel $0x180000  }
0x46: {  	[bflag:$0x0] =	sbarrier.arrive $0xFFFF  }
0x47: {  	p0 =	sne.s32 s1, $0x0;
	_ =	strace $0x90000047  }
0x48: {  	s0 =	sadd.s32 @!p0 $0x100000, s0;
	[bflag:$0x2] =	sbarrier.arrive $0xFFFF  }
0x49: {  	[sflag:s0] =	ssyncadd.tile.s32 @!p0 $0x1;
	_ =	shalt  }
.Lfunc_end2:
_tile_overlayer_lowered:
.L_overlay_start_2:
0x4a: {  	(tag) =	ssettag $0x2  }
0x4b: {  	s0 =	rddreg [dreg:$0x0];
	s2 =	stileid.u32  }
0x4c: {  	s1 =	rddreg [dreg:$0x1];
	p0 =	sne.s32 s2, $0x0  }
0x4d: {  	s3 =	rddreg [dreg:$0x2];
	[bflag:$0x3] =	sbarrier.arrive $0xFFFF;
	s2 =	simm.s32 @!p0 $0x1C05  }
0x4e: {  	[timem:s3], [sflag:s2] =	dma.local @!p0 [hbm:s0], s1  }
0x4f: {  	s0 =	simm.s32 @!p0 $0x5  }
0x50: {  	_ =	swait.ge @!p0 [sflag:s0], s1  }
0x51: {  	s1 =	ssub.s32 @!p0 $0x0, s1;
	[sflag:s0] =	ssyncset.done @!p0 $0x0  }
0x52: {  	[sflag:s0] =	ssyncadd.s32 @!p0 s1  }
0x53: {  	[bflag:$0x3] =	sbarrier.arrive $0xFFFF  }
0x54: {  	_ =	shalt  }

</sc_bundles>
